<compile_context>
chip_gen: v7x
topology: tpu7x:2x2x1
jax: 0.10.2.dev20260603
libtpu: 0.0.44.dev20260713+nightly
codegen_flags: <defaults>
</compile_context>

<pallas_src>
import functools

import jax
import jax.numpy as jnp
from jax import lax
from jax.experimental import pallas as pl
from jax.experimental.pallas import tpu as pltpu
from jax.experimental.pallas import tpu_sc as plsc

_LB = 256
_CH = 32


def _sc_gather_rows(table, idx):
    n = idx.shape[0]
    d = table.shape[1]
    info = plsc.get_sparse_core_info()
    nw = info.num_cores * info.num_subcores
    rows_w = n // nw
    nch = rows_w // _CH
    mesh = plsc.VectorSubcoreMesh(core_axis_name="c", subcore_axis_name="s")

    @functools.partial(
        pl.kernel,
        mesh=mesh,
        out_type=jax.ShapeDtypeStruct((n, d), jnp.float32),
        scratch_types=[
            pltpu.VMEM((rows_w,), jnp.int32),
            pltpu.VMEM((_CH, d), jnp.float32),
            pltpu.VMEM((_CH, d), jnp.float32),
            pltpu.SemaphoreType.DMA,
            pltpu.SemaphoreType.DMA,
            pltpu.SemaphoreType.DMA,
            pltpu.SemaphoreType.DMA,
        ],
    )
    def gather_k(table_hbm, idx_hbm, out_hbm, idx_v, rows_v0, rows_v1,
                 gs0, gs1, ws0, ws1):
        wid = lax.axis_index("s") * info.num_cores + lax.axis_index("c")
        base = wid * rows_w
        bufs = (rows_v0, rows_v1)
        gsem = (gs0, gs1)
        wsem = (ws0, ws1)

        pltpu.sync_copy(idx_hbm.at[pl.ds(base, rows_w)], idx_v)

        def start_gather(c):
            return pltpu.async_copy(
                table_hbm.at[idx_v.at[pl.ds(c * _CH, _CH)]],
                bufs[c % 2], gsem[c % 2])

        gh = {0: start_gather(0)}
        if nch > 1:
            gh[1] = start_gather(1)
        wh = {}
        for c in range(nch):
            gh[c].wait()
            wh[c] = pltpu.async_copy(
                bufs[c % 2], out_hbm.at[pl.ds(base + c * _CH, _CH)],
                wsem[c % 2])
            if c + 2 < nch:
                wh[c].wait()
                gh[c + 2] = start_gather(c + 2)
        for c in range(max(0, nch - 2), nch):
            wh[c].wait()

    return gather_k(table, idx)


def _tc_assemble(te3, states, rtg3, acts, state_w, wr, wa, rb, sb, ab, pos):
    bc, l, d = te3.shape
    sdim = states.shape[-1]
    a = acts.shape[-1]
    spread = 2 + a

    def body(te_ref, st_ref, r_ref, a_ref, sw_ref, wr_ref, wa_ref,
             rb_ref, sb_ref, ab_ref, pos_ref, out_ref):
        te = te_ref[0]
        te2 = te + te
        s_emb = jnp.dot(st_ref[0], sw_ref[...],
                        preferred_element_type=jnp.float32)
        out_ref[0, :, 0, :] = r_ref[0] * wr_ref[...] \
            + rb_ref[...] + te2
        out_ref[0, :, 1, :] = s_emb + sb_ref[...] + te2
        acts_m = a_ref[0]
        for j in range(a):
            cj = ab_ref[...] + pos_ref[j][None, :]
            out_ref[0, :, 2 + j, :] = (
                acts_m[:, j][:, None] * wa_ref[...] + cj + te)
        del out_ref

    in_specs = [
        pl.BlockSpec((1, _LB, d), lambda i, j: (i, j, 0)),
        pl.BlockSpec((1, _LB, sdim), lambda i, j: (i, j, 0)),
        pl.BlockSpec((1, _LB, 1), lambda i, j: (i, j, 0)),
        pl.BlockSpec((1, _LB, a), lambda i, j: (i, j, 0)),
        pl.BlockSpec((sdim, d), lambda i, j: (0, 0)),
        pl.BlockSpec((1, d), lambda i, j: (0, 0)),
        pl.BlockSpec((1, d), lambda i, j: (0, 0)),
        pl.BlockSpec((1, d), lambda i, j: (0, 0)),
        pl.BlockSpec((1, d), lambda i, j: (0, 0)),
        pl.BlockSpec((1, d), lambda i, j: (0, 0)),
        pl.BlockSpec((a, d), lambda i, j: (0, 0)),
    ]
    return pl.pallas_call(
        body,
        grid=(bc, l // _LB),
        in_specs=in_specs,
        out_specs=pl.BlockSpec(
            (1, _LB, spread, d), lambda i, j: (i, j, 0, 0)),
        out_shape=jax.ShapeDtypeStruct((bc, l, spread, d), jnp.float32),
        compiler_params=pltpu.CompilerParams(
            dimension_semantics=("parallel", "parallel"),
        ),
    )(te3, states, rtg3, acts, state_w, wr, wa, rb, sb, ab, pos)


def kernel(states, actions, returns_to_go, time_steps, padding_mask,
           timestep_table, state_W, state_b, return_W, return_b,
           act_W, act_b, action_pos_table):
    b, l, sdim = states.shape
    a = actions.shape[-1]
    d = timestep_table.shape[1]
    spread = 2 + a

    te3 = _sc_gather_rows(
        timestep_table,
        time_steps.astype(jnp.int32).reshape(b * l)).reshape(b, l, d)
    out = _tc_assemble(te3, states, returns_to_go[..., None], actions,
                       state_W, return_W[None], act_W[None], return_b[None],
                       state_b[None], act_b[None], action_pos_table)
    embeds = out.reshape(b, l * spread, d)
    pm = jnp.repeat(padding_mask, spread, axis=1)
    return embeds, pm

# --- scband reference (transcript-rebuilt; emitter-appended) ---
"""Pipeline reference for scband-sequential-action-62972810494318 (READ-ONLY COPY).

The authoritative reference and input builder live on the scoring server;
editing this copy changes nothing except your own understanding.
"""

import jax, jax.numpy as jnp
import numpy as np

B, L, S_DIM, A, D = 16, 256, 256, 6, 1024
EP_LEN = 2048
T_VOCAB = EP_LEN + L


def setup_inputs(seed: int = 0):
    key = jax.random.key(seed)
    ks = jax.random.split(key, 12)
    states = jax.random.normal(ks[0], (B, L, S_DIM), dtype=jnp.float32)
    actions = jax.random.normal(ks[1], (B, L, A), dtype=jnp.float32)
    returns_to_go = jax.random.normal(ks[2], (B, L), dtype=jnp.float32)
    time_steps = jax.random.randint(ks[3], (B, L), 0, EP_LEN)
    padding_mask = jnp.zeros((B, L), dtype=bool)
    timestep_table = jax.random.normal(ks[4], (T_VOCAB, D), dtype=jnp.float32) * 0.02
    state_W = jax.random.normal(ks[5], (S_DIM, D), dtype=jnp.float32) * 0.02
    state_b = jnp.zeros((D,), dtype=jnp.float32)
    return_W = jax.random.normal(ks[6], (D,), dtype=jnp.float32) * 0.02
    return_b = jnp.zeros((D,), dtype=jnp.float32)
    act_W = jax.random.normal(ks[7], (D,), dtype=jnp.float32) * 0.02
    act_b = jnp.zeros((D,), dtype=jnp.float32)
    action_pos_table = jax.random.normal(ks[8], (A, D), dtype=jnp.float32) * 0.02
    return {
        "states": states,
        "actions": actions,
        "returns_to_go": returns_to_go,
        "time_steps": time_steps,
        "padding_mask": padding_mask,
        "timestep_table": timestep_table,
        "state_W": state_W,
        "state_b": state_b,
        "return_W": return_W,
        "return_b": return_b,
        "act_W": act_W,
        "act_b": act_b,
        "action_pos_table": action_pos_table,
    }


def reference(states, actions, returns_to_go, time_steps, padding_mask,
              timestep_table, state_W, state_b, return_W, return_b,
              act_W, act_b, action_pos_table):
    batch_size = states.shape[0]
    seq_len = states.shape[1]
    action_dim = actions.shape[-1]
    spread_dim = 1 + 1 + action_dim
    emb_dim = timestep_table.shape[1]

    # embedding lookups (SparseCore gather)
    time_emb = jnp.take(timestep_table, time_steps, axis=0)  # [B, L, D]
    ret_emb = returns_to_go[..., None] * return_W[None, None, :] + return_b + time_emb
    state_emb = states @ state_W + state_b + time_emb
    rep_ts = jnp.repeat(time_steps, action_dim, axis=-1)  # [B, L*A]
    repeat_time_emb = jnp.take(timestep_table, rep_ts, axis=0)  # [B, L*A, D]
    # faithful to original: time_emb is added a second time (module bug preserved)
    ret_emb = ret_emb + time_emb
    state_emb = state_emb + time_emb
    act_emb = actions.reshape(batch_size, seq_len * action_dim, 1) * act_W[None, None, :] + act_b
    pos_act_emb = jnp.tile(action_pos_table, (seq_len, 1))  # [L*A, D]
    act_emb = act_emb + repeat_time_emb + pos_act_emb[None, :, :]
    act_emb = act_emb.reshape(batch_size, seq_len, action_dim, emb_dim)
    embeds = jnp.stack([ret_emb, state_emb], axis=2)  # [B, L, 2, D]
    embeds = jnp.concatenate([embeds, act_emb], axis=2).reshape(batch_size, seq_len * spread_dim, emb_dim)
    pm = jnp.stack([padding_mask for _ in range(spread_dim)], axis=1)  # [B, spread, L]
    pm = jnp.transpose(pm, (0, 2, 1)).reshape(batch_size, -1)  # [B, L*spread]
    return embeds, pm

if __name__ == "__main__":
    import jax
    _d = setup_inputs()
    print(jax.jit(kernel)(*tuple(_d.values())))

</pallas_src>

<mosaic_0001>
#map = affine_map<(d0, d1) -> (0, 0)>
#map1 = affine_map<(d0, d1) -> (0)>
module attributes {stable_mosaic.version = 14 : i64} {
  func.func @gather_k(%arg0: i32, %arg1: i32, %arg2: memref<2304x1024xf32, #tpu.memory_space<hbm>>, %arg3: memref<4096xi32, #tpu.memory_space<hbm>>, %arg4: memref<4096x1024xf32, #tpu.memory_space<hbm>>, %arg5: memref<128xi32, #tpu.memory_space<vmem>>, %arg6: memref<32x1024xf32, #tpu.memory_space<vmem>>, %arg7: memref<32x1024xf32, #tpu.memory_space<vmem>>, %arg8: memref<!tpu.dma_semaphore, #tpu.memory_space<semaphore_mem>>, %arg9: memref<!tpu.dma_semaphore, #tpu.memory_space<semaphore_mem>>, %arg10: memref<!tpu.dma_semaphore, #tpu.memory_space<semaphore_mem>>, %arg11: memref<!tpu.dma_semaphore, #tpu.memory_space<semaphore_mem>>) attributes {dimension_semantics = [#tpu.dimension_semantics<core_parallel>, #tpu.dimension_semantics<subcore_parallel>], iteration_bounds = array<i64: 2, 16>, scalar_prefetch = 0 : i64, scratch_operands = 7 : i64, tpu.core_type = #tpu.core_type<sc_vector_subcore>, window_params = [{transform_indices = #map}, {transform_indices = #map1}, {transform_indices = #map}]} {
    %mul3A = arith.constant 2 : i32
    %mul3A_0 = arith.muli %arg1, %mul3A : i32
    %add3A = arith.addi %mul3A_0, %arg0 : i32
    %mul3A_1 = arith.constant 128 : i32
    %mul3A_2 = arith.muli %add3A, %mul3A_1 : i32
    "tpu.region"() ({
      %run_scoped3A = tpu.sem_alloc : memref<!tpu.dma_semaphore, #tpu.memory_space<semaphore_mem>>
      %dma_start3A_81 = tpu.memref_slice %arg3[%mul3A_2] : memref<4096xi32, #tpu.memory_space<hbm>> -> memref<128xi32, #tpu.memory_space<hbm>>
      %dma_start3A_82 = tpu.memref_slice %arg3[%mul3A_2] : memref<4096xi32, #tpu.memory_space<hbm>> -> memref<128xi32, #tpu.memory_space<hbm>>
      tpu.enqueue_dma source(%dma_start3A_82 : memref<128xi32, #tpu.memory_space<hbm>>) target(%arg5 : memref<128xi32, #tpu.memory_space<vmem>>) target_semaphore(%run_scoped3A : memref<!tpu.dma_semaphore, #tpu.memory_space<semaphore_mem>>)
      %dma_wait3A_83 = tpu.memref_slice %arg3[%mul3A_2] : memref<4096xi32, #tpu.memory_space<hbm>> -> memref<128xi32, #tpu.memory_space<hbm>>
      %dma_wait3A_84 = tpu.memref_slice %arg3[%mul3A_2] : memref<4096xi32, #tpu.memory_space<hbm>> -> memref<128xi32, #tpu.memory_space<hbm>>
      tpu.wait_dma2 semaphore(%run_scoped3A : memref<!tpu.dma_semaphore, #tpu.memory_space<semaphore_mem>>) src(%dma_wait3A_84 : memref<128xi32, #tpu.memory_space<hbm>>) dst(%arg5 : memref<128xi32, #tpu.memory_space<vmem>>)
      tpu.yield
    }) : () -> ()
    %dma_start3A = arith.constant 0 : i32
    %dma_start3A_3 = tpu.memref_slice %arg5[%dma_start3A] : memref<128xi32, #tpu.memory_space<vmem>> -> memref<32xi32, #tpu.memory_space<vmem>>
    %dma_start3A_4 = arith.constant 0 : i32
    %dma_start3A_5 = arith.constant 0 : i32
    %dma_start3A_6 = tpu.memref_slice %arg2[%dma_start3A_4, %dma_start3A_5] : memref<2304x1024xf32, #tpu.memory_space<hbm>> -> memref<2304x1024xf32, #tpu.memory_space<hbm>>
    tpu.enqueue_indirect_dma source(%dma_start3A_6 : memref<2304x1024xf32, #tpu.memory_space<hbm>>) target(%arg6 : memref<32x1024xf32, #tpu.memory_space<vmem>>) offsets(%dma_start3A_3 : memref<32xi32, #tpu.memory_space<vmem>>) semaphore(%arg8 : memref<!tpu.dma_semaphore, #tpu.memory_space<semaphore_mem>>)
    %dma_start3A_7 = arith.constant 32 : i32
    %dma_start3A_8 = tpu.memref_slice %arg5[%dma_start3A_7] : memref<128xi32, #tpu.memory_space<vmem>> -> memref<32xi32, #tpu.memory_space<vmem>>
    %dma_start3A_9 = arith.constant 0 : i32
    %dma_start3A_10 = arith.constant 0 : i32
    %dma_start3A_11 = tpu.memref_slice %arg2[%dma_start3A_9, %dma_start3A_10] : memref<2304x1024xf32, #tpu.memory_space<hbm>> -> memref<2304x1024xf32, #tpu.memory_space<hbm>>
    tpu.enqueue_indirect_dma source(%dma_start3A_11 : memref<2304x1024xf32, #tpu.memory_space<hbm>>) target(%arg7 : memref<32x1024xf32, #tpu.memory_space<vmem>>) offsets(%dma_start3A_8 : memref<32xi32, #tpu.memory_space<vmem>>) semaphore(%arg9 : memref<!tpu.dma_semaphore, #tpu.memory_space<semaphore_mem>>)
    %dma_wait3A = arith.constant 0 : i32
    %dma_wait3A_12 = tpu.memref_slice %arg5[%dma_wait3A] : memref<128xi32, #tpu.memory_space<vmem>> -> memref<32xi32, #tpu.memory_space<vmem>>
    %dma_wait3A_13 = arith.constant 0 : i32
    %dma_wait3A_14 = arith.constant 0 : i32
    %dma_wait3A_15 = tpu.memref_slice %arg2[%dma_wait3A_13, %dma_wait3A_14] : memref<2304x1024xf32, #tpu.memory_space<hbm>> -> memref<2304x1024xf32, #tpu.memory_space<hbm>>
    tpu.wait_indirect_dma semaphore(%arg8 : memref<!tpu.dma_semaphore, #tpu.memory_space<semaphore_mem>>) src(%dma_wait3A_15 : memref<2304x1024xf32, #tpu.memory_space<hbm>>) dst(%arg6 : memref<32x1024xf32, #tpu.memory_space<vmem>>)
    %add3A_16 = arith.constant 0 : i32
    %add3A_17 = arith.addi %mul3A_2, %add3A_16 : i32
    %dma_start3A_18 = arith.constant 0 : i32
    %dma_start3A_19 = tpu.memref_slice %arg4[%add3A_17, %dma_start3A_18] : memref<4096x1024xf32, #tpu.memory_space<hbm>> -> memref<32x1024xf32, #tpu.memory_space<hbm>>
    %dma_start3A_20 = arith.constant 0 : i32
    %dma_start3A_21 = tpu.memref_slice %arg4[%add3A_17, %dma_start3A_20] : memref<4096x1024xf32, #tpu.memory_space<hbm>> -> memref<32x1024xf32, #tpu.memory_space<hbm>>
    tpu.enqueue_dma source(%arg6 : memref<32x1024xf32, #tpu.memory_space<vmem>>) target(%dma_start3A_21 : memref<32x1024xf32, #tpu.memory_space<hbm>>) target_semaphore(%arg10 : memref<!tpu.dma_semaphore, #tpu.memory_space<semaphore_mem>>)
    %dma_wait3A_22 = arith.constant 0 : i32
    %dma_wait3A_23 = tpu.memref_slice %arg4[%add3A_17, %dma_wait3A_22] : memref<4096x1024xf32, #tpu.memory_space<hbm>> -> memref<32x1024xf32, #tpu.memory_space<hbm>>
    %dma_wait3A_24 = arith.constant 0 : i32
    %dma_wait3A_25 = tpu.memref_slice %arg4[%add3A_17, %dma_wait3A_24] : memref<4096x1024xf32, #tpu.memory_space<hbm>> -> memref<32x1024xf32, #tpu.memory_space<hbm>>
    tpu.wait_dma2 semaphore(%arg10 : memref<!tpu.dma_semaphore, #tpu.memory_space<semaphore_mem>>) src(%arg6 : memref<32x1024xf32, #tpu.memory_space<vmem>>) dst(%dma_wait3A_25 : memref<32x1024xf32, #tpu.memory_space<hbm>>)
    %dma_start3A_26 = arith.constant 64 : i32
    %dma_start3A_27 = tpu.memref_slice %arg5[%dma_start3A_26] : memref<128xi32, #tpu.memory_space<vmem>> -> memref<32xi32, #tpu.memory_space<vmem>>
    %dma_start3A_28 = arith.constant 0 : i32
    %dma_start3A_29 = arith.constant 0 : i32
    %dma_start3A_30 = tpu.memref_slice %arg2[%dma_start3A_28, %dma_start3A_29] : memref<2304x1024xf32, #tpu.memory_space<hbm>> -> memref<2304x1024xf32, #tpu.memory_space<hbm>>
    tpu.enqueue_indirect_dma source(%dma_start3A_30 : memref<2304x1024xf32, #tpu.memory_space<hbm>>) target(%arg6 : memref<32x1024xf32, #tpu.memory_space<vmem>>) offsets(%dma_start3A_27 : memref<32xi32, #tpu.memory_space<vmem>>) semaphore(%arg8 : memref<!tpu.dma_semaphore, #tpu.memory_space<semaphore_mem>>)
    %dma_wait3A_31 = arith.constant 32 : i32
    %dma_wait3A_32 = tpu.memref_slice %arg5[%dma_wait3A_31] : memref<128xi32, #tpu.memory_space<vmem>> -> memref<32xi32, #tpu.memory_space<vmem>>
    %dma_wait3A_33 = arith.constant 0 : i32
    %dma_wait3A_34 = arith.constant 0 : i32
    %dma_wait3A_35 = tpu.memref_slice %arg2[%dma_wait3A_33, %dma_wait3A_34] : memref<2304x1024xf32, #tpu.memory_space<hbm>> -> memref<2304x1024xf32, #tpu.memory_space<hbm>>
    tpu.wait_indirect_dma semaphore(%arg9 : memref<!tpu.dma_semaphore, #tpu.memory_space<semaphore_mem>>) src(%dma_wait3A_35 : memref<2304x1024xf32, #tpu.memory_space<hbm>>) dst(%arg7 : memref<32x1024xf32, #tpu.memory_space<vmem>>)
    %add3A_36 = arith.constant 32 : i32
    %add3A_37 = arith.addi %mul3A_2, %add3A_36 : i32
    %dma_start3A_38 = arith.constant 0 : i32
    %dma_start3A_39 = tpu.memref_slice %arg4[%add3A_37, %dma_start3A_38] : memref<4096x1024xf32, #tpu.memory_space<hbm>> -> memref<32x1024xf32, #tpu.memory_space<hbm>>
    %dma_start3A_40 = arith.constant 0 : i32
    %dma_start3A_41 = tpu.memref_slice %arg4[%add3A_37, %dma_start3A_40] : memref<4096x1024xf32, #tpu.memory_space<hbm>> -> memref<32x1024xf32, #tpu.memory_space<hbm>>
    tpu.enqueue_dma source(%arg7 : memref<32x1024xf32, #tpu.memory_space<vmem>>) target(%dma_start3A_41 : memref<32x1024xf32, #tpu.memory_space<hbm>>) target_semaphore(%arg11 : memref<!tpu.dma_semaphore, #tpu.memory_space<semaphore_mem>>)
    %dma_wait3A_42 = arith.constant 0 : i32
    %dma_wait3A_43 = tpu.memref_slice %arg4[%add3A_37, %dma_wait3A_42] : memref<4096x1024xf32, #tpu.memory_space<hbm>> -> memref<32x1024xf32, #tpu.memory_space<hbm>>
    %dma_wait3A_44 = arith.constant 0 : i32
    %dma_wait3A_45 = tpu.memref_slice %arg4[%add3A_37, %dma_wait3A_44] : memref<4096x1024xf32, #tpu.memory_space<hbm>> -> memref<32x1024xf32, #tpu.memory_space<hbm>>
    tpu.wait_dma2 semaphore(%arg11 : memref<!tpu.dma_semaphore, #tpu.memory_space<semaphore_mem>>) src(%arg7 : memref<32x1024xf32, #tpu.memory_space<vmem>>) dst(%dma_wait3A_45 : memref<32x1024xf32, #tpu.memory_space<hbm>>)
    %dma_start3A_46 = arith.constant 96 : i32
    %dma_start3A_47 = tpu.memref_slice %arg5[%dma_start3A_46] : memref<128xi32, #tpu.memory_space<vmem>> -> memref<32xi32, #tpu.memory_space<vmem>>
    %dma_start3A_48 = arith.constant 0 : i32
    %dma_start3A_49 = arith.constant 0 : i32
    %dma_start3A_50 = tpu.memref_slice %arg2[%dma_start3A_48, %dma_start3A_49] : memref<2304x1024xf32, #tpu.memory_space<hbm>> -> memref<2304x1024xf32, #tpu.memory_space<hbm>>
    tpu.enqueue_indirect_dma source(%dma_start3A_50 : memref<2304x1024xf32, #tpu.memory_space<hbm>>) target(%arg7 : memref<32x1024xf32, #tpu.memory_space<vmem>>) offsets(%dma_start3A_47 : memref<32xi32, #tpu.memory_space<vmem>>) semaphore(%arg9 : memref<!tpu.dma_semaphore, #tpu.memory_space<semaphore_mem>>)
    %dma_wait3A_51 = arith.constant 64 : i32
    %dma_wait3A_52 = tpu.memref_slice %arg5[%dma_wait3A_51] : memref<128xi32, #tpu.memory_space<vmem>> -> memref<32xi32, #tpu.memory_space<vmem>>
    %dma_wait3A_53 = arith.constant 0 : i32
    %dma_wait3A_54 = arith.constant 0 : i32
    %dma_wait3A_55 = tpu.memref_slice %arg2[%dma_wait3A_53, %dma_wait3A_54] : memref<2304x1024xf32, #tpu.memory_space<hbm>> -> memref<2304x1024xf32, #tpu.memory_space<hbm>>
    tpu.wait_indirect_dma semaphore(%arg8 : memref<!tpu.dma_semaphore, #tpu.memory_space<semaphore_mem>>) src(%dma_wait3A_55 : memref<2304x1024xf32, #tpu.memory_space<hbm>>) dst(%arg6 : memref<32x1024xf32, #tpu.memory_space<vmem>>)
    %add3A_56 = arith.constant 64 : i32
    %add3A_57 = arith.addi %mul3A_2, %add3A_56 : i32
    %dma_start3A_58 = arith.constant 0 : i32
    %dma_start3A_59 = tpu.memref_slice %arg4[%add3A_57, %dma_start3A_58] : memref<4096x1024xf32, #tpu.memory_space<hbm>> -> memref<32x1024xf32, #tpu.memory_space<hbm>>
    %dma_start3A_60 = arith.constant 0 : i32
    %dma_start3A_61 = tpu.memref_slice %arg4[%add3A_57, %dma_start3A_60] : memref<4096x1024xf32, #tpu.memory_space<hbm>> -> memref<32x1024xf32, #tpu.memory_space<hbm>>
    tpu.enqueue_dma source(%arg6 : memref<32x1024xf32, #tpu.memory_space<vmem>>) target(%dma_start3A_61 : memref<32x1024xf32, #tpu.memory_space<hbm>>) target_semaphore(%arg10 : memref<!tpu.dma_semaphore, #tpu.memory_space<semaphore_mem>>)
    %dma_wait3A_62 = arith.constant 96 : i32
    %dma_wait3A_63 = tpu.memref_slice %arg5[%dma_wait3A_62] : memref<128xi32, #tpu.memory_space<vmem>> -> memref<32xi32, #tpu.memory_space<vmem>>
    %dma_wait3A_64 = arith.constant 0 : i32
    %dma_wait3A_65 = arith.constant 0 : i32
    %dma_wait3A_66 = tpu.memref_slice %arg2[%dma_wait3A_64, %dma_wait3A_65] : memref<2304x1024xf32, #tpu.memory_space<hbm>> -> memref<2304x1024xf32, #tpu.memory_space<hbm>>
    tpu.wait_indirect_dma semaphore(%arg9 : memref<!tpu.dma_semaphore, #tpu.memory_space<semaphore_mem>>) src(%dma_wait3A_66 : memref<2304x1024xf32, #tpu.memory_space<hbm>>) dst(%arg7 : memref<32x1024xf32, #tpu.memory_space<vmem>>)
    %add3A_67 = arith.constant 96 : i32
    %add3A_68 = arith.addi %mul3A_2, %add3A_67 : i32
    %dma_start3A_69 = arith.constant 0 : i32
    %dma_start3A_70 = tpu.memref_slice %arg4[%add3A_68, %dma_start3A_69] : memref<4096x1024xf32, #tpu.memory_space<hbm>> -> memref<32x1024xf32, #tpu.memory_space<hbm>>
    %dma_start3A_71 = arith.constant 0 : i32
    %dma_start3A_72 = tpu.memref_slice %arg4[%add3A_68, %dma_start3A_71] : memref<4096x1024xf32, #tpu.memory_space<hbm>> -> memref<32x1024xf32, #tpu.memory_space<hbm>>
    tpu.enqueue_dma source(%arg7 : memref<32x1024xf32, #tpu.memory_space<vmem>>) target(%dma_start3A_72 : memref<32x1024xf32, #tpu.memory_space<hbm>>) target_semaphore(%arg11 : memref<!tpu.dma_semaphore, #tpu.memory_space<semaphore_mem>>)
    %dma_wait3A_73 = arith.constant 0 : i32
    %dma_wait3A_74 = tpu.memref_slice %arg4[%add3A_57, %dma_wait3A_73] : memref<4096x1024xf32, #tpu.memory_space<hbm>> -> memref<32x1024xf32, #tpu.memory_space<hbm>>
    %dma_wait3A_75 = arith.constant 0 : i32
    %dma_wait3A_76 = tpu.memref_slice %arg4[%add3A_57, %dma_wait3A_75] : memref<4096x1024xf32, #tpu.memory_space<hbm>> -> memref<32x1024xf32, #tpu.memory_space<hbm>>
    tpu.wait_dma2 semaphore(%arg10 : memref<!tpu.dma_semaphore, #tpu.memory_space<semaphore_mem>>) src(%arg6 : memref<32x1024xf32, #tpu.memory_space<vmem>>) dst(%dma_wait3A_76 : memref<32x1024xf32, #tpu.memory_space<hbm>>)
    %dma_wait3A_77 = arith.constant 0 : i32
    %dma_wait3A_78 = tpu.memref_slice %arg4[%add3A_68, %dma_wait3A_77] : memref<4096x1024xf32, #tpu.memory_space<hbm>> -> memref<32x1024xf32, #tpu.memory_space<hbm>>
    %dma_wait3A_79 = arith.constant 0 : i32
    %dma_wait3A_80 = tpu.memref_slice %arg4[%add3A_68, %dma_wait3A_79] : memref<4096x1024xf32, #tpu.memory_space<hbm>> -> memref<32x1024xf32, #tpu.memory_space<hbm>>
    tpu.wait_dma2 semaphore(%arg11 : memref<!tpu.dma_semaphore, #tpu.memory_space<semaphore_mem>>) src(%arg7 : memref<32x1024xf32, #tpu.memory_space<vmem>>) dst(%dma_wait3A_80 : memref<32x1024xf32, #tpu.memory_space<hbm>>)
    return
  }
}

module attributes {stable_mosaic.version = 14 : i64} {
  func.func @body(%arg0: i32, %arg1: i32, %arg2: memref<1x256x1024xf32, #tpu.memory_space<vmem>>, %arg3: memref<1x256x256xf32, #tpu.memory_space<vmem>>, %arg4: memref<1x256x1xf32, #tpu.memory_space<vmem>>, %arg5: memref<1x256x6xf32, #tpu.memory_space<vmem>>, %arg6: memref<256x1024xf32, #tpu.memory_space<vmem>>, %arg7: memref<1x1024xf32, #tpu.memory_space<vmem>>, %arg8: memref<1x1024xf32, #tpu.memory_space<vmem>>, %arg9: memref<1x1024xf32, #tpu.memory_space<vmem>>, %arg10: memref<1x1024xf32, #tpu.memory_space<vmem>>, %arg11: memref<1x1024xf32, #tpu.memory_space<vmem>>, %arg12: memref<6x1024xf32, #tpu.memory_space<vmem>>, %arg13: memref<1x256x8x1024xf32, #tpu.memory_space<vmem>>) attributes {dimension_semantics = [#tpu.dimension_semantics<parallel>, #tpu.dimension_semantics<parallel>], iteration_bounds = array<i64: 16, 1>, scalar_prefetch = 0 : i64, scratch_operands = 0 : i64, tpu.core_type = #tpu.core_type<tc>, window_params = [{transform_indices = @transform_0, window_bounds = array<i64: 1, 256, 1024>}, {transform_indices = @transform_1, window_bounds = array<i64: 1, 256, 256>}, {transform_indices = @transform_2, window_bounds = array<i64: 1, 256, 1>}, {transform_indices = @transform_3, window_bounds = array<i64: 1, 256, 6>}, {pipeline_mode = #tpu.pipeline_mode<synchronous>, transform_indices = @transform_4, window_bounds = array<i64: 256, 1024>}, {pipeline_mode = #tpu.pipeline_mode<synchronous>, transform_indices = @transform_5, window_bounds = array<i64: 1, 1024>}, {pipeline_mode = #tpu.pipeline_mode<synchronous>, transform_indices = @transform_6, window_bounds = array<i64: 1, 1024>}, {pipeline_mode = #tpu.pipeline_mode<synchronous>, transform_indices = @transform_7, window_bounds = array<i64: 1, 1024>}, {pipeline_mode = #tpu.pipeline_mode<synchronous>, transform_indices = @transform_8, window_bounds = array<i64: 1, 1024>}, {pipeline_mode = #tpu.pipeline_mode<synchronous>, transform_indices = @transform_9, window_bounds = array<i64: 1, 1024>}, {pipeline_mode = #tpu.pipeline_mode<synchronous>, transform_indices = @transform_10, window_bounds = array<i64: 6, 1024>}, {transform_indices = @transform_11, window_bounds = array<i64: 1, 256, 8, 1024>}]} {
    %get3A = arith.constant 0 : index
    %get3A_0 = arith.constant 0 : index
    %get3A_1 = arith.constant 0 : index
    %get3A_2 = vector.load %arg2[%get3A, %get3A_0, %get3A_1] : memref<1x256x1024xf32, #tpu.memory_space<vmem>>, vector<1x256x1024xf32>
    %get3A_3 = vector.shape_cast %get3A_2 : vector<1x256x1024xf32> to vector<256x1024xf32>
    %add3A = arith.addf %get3A_3, %get3A_3 : vector<256x1024xf32>
    %get3A_4 = arith.constant 0 : index
    %get3A_5 = arith.constant 0 : index
    %get3A_6 = arith.constant 0 : index
    %get3A_7 = vector.load %arg3[%get3A_4, %get3A_5, %get3A_6] : memref<1x256x256xf32, #tpu.memory_space<vmem>>, vector<1x256x256xf32>
    %get3A_8 = vector.shape_cast %get3A_7 : vector<1x256x256xf32> to vector<256x256xf32>
    %get3A_9 = arith.constant 0 : index
    %get3A_10 = arith.constant 0 : index
    %get3A_11 = vector.load %arg6[%get3A_9, %get3A_10] : memref<256x1024xf32, #tpu.memory_space<vmem>>, vector<256x1024xf32>
    %dot_general3A = arith.constant dense<0.000000e+00> : vector<256x1024xf32>
    %dot_general3A_12 = tpu.matmul %get3A_8, %get3A_11, %dot_general3A {dimension_numbers = #tpu.dot_dimension_numbers<[1], [0], [0], [1], [0, 0, 1, 1], [], []>, transpose_lhs_hint = false} : vector<256x256xf32>, vector<256x1024xf32>, vector<256x1024xf32> -> vector<256x1024xf32>
    %get3A_13 = arith.constant 0 : index
    %get3A_14 = arith.constant 0 : index
    %get3A_15 = arith.constant 0 : index
    %get3A_16 = vector.load %arg4[%get3A_13, %get3A_14, %get3A_15] : memref<1x256x1xf32, #tpu.memory_space<vmem>>, vector<1x256x1xf32>
    %get3A_17 = vector.shape_cast %get3A_16 : vector<1x256x1xf32> to vector<256x1xf32>
    %get3A_18 = arith.constant 0 : index
    %get3A_19 = arith.constant 0 : index
    %get3A_20 = vector.load %arg7[%get3A_18, %get3A_19] : memref<1x1024xf32, #tpu.memory_space<vmem>>, vector<1x1024xf32>
    %mul3A = vector.broadcast %get3A_17 : vector<256x1xf32> to vector<256x1024xf32>
    %mul3A_21 = vector.broadcast %get3A_20 : vector<1x1024xf32> to vector<256x1024xf32>
    %mul3A_22 = arith.mulf %mul3A, %mul3A_21 : vector<256x1024xf32>
    %get3A_23 = arith.constant 0 : index
    %get3A_24 = arith.constant 0 : index
    %get3A_25 = vector.load %arg9[%get3A_23, %get3A_24] : memref<1x1024xf32, #tpu.memory_space<vmem>>, vector<1x1024xf32>
    %add3A_26 = vector.broadcast %get3A_25 : vector<1x1024xf32> to vector<256x1024xf32>
    %add3A_27 = arith.addf %mul3A_22, %add3A_26 : vector<256x1024xf32>
    %add3A_28 = arith.addf %add3A_27, %add3A : vector<256x1024xf32>
    %swap3A = arith.constant 0 : index
    %swap3A_29 = arith.constant 0 : index
    %swap3A_30 = arith.constant 0 : index
    %swap3A_31 = arith.constant 0 : index
    %swap3A_32 = vector.load %arg13[%swap3A, %swap3A_29, %swap3A_30, %swap3A_31] : memref<1x256x8x1024xf32, #tpu.memory_space<vmem>>, vector<1x256x1x1024xf32>
    %swap3A_33 = vector.shape_cast %swap3A_32 : vector<1x256x1x1024xf32> to vector<256x1024xf32>
    %swap3A_34 = vector.shape_cast %add3A_28 : vector<256x1024xf32> to vector<1x256x1x1024xf32>
    tpu.vector_store %arg13[%swap3A, %swap3A_29, %swap3A_30, %swap3A_31], %swap3A_34 {strides = array<i32>} : memref<1x256x8x1024xf32, #tpu.memory_space<vmem>>, vector<1x256x1x1024xf32>,
    %get3A_35 = arith.constant 0 : index
    %get3A_36 = arith.constant 0 : index
    %get3A_37 = vector.load %arg10[%get3A_35, %get3A_36] : memref<1x1024xf32, #tpu.memory_space<vmem>>, vector<1x1024xf32>
    %add3A_38 = vector.broadcast %get3A_37 : vector<1x1024xf32> to vector<256x1024xf32>
    %add3A_39 = arith.addf %dot_general3A_12, %add3A_38 : vector<256x1024xf32>
    %add3A_40 = arith.addf %add3A_39, %add3A : vector<256x1024xf32>
    %swap3A_41 = arith.constant 0 : index
    %swap3A_42 = arith.constant 0 : index
    %swap3A_43 = arith.constant 1 : index
    %swap3A_44 = arith.constant 0 : index
    %swap3A_45 = vector.load %arg13[%swap3A_41, %swap3A_42, %swap3A_43, %swap3A_44] : memref<1x256x8x1024xf32, #tpu.memory_space<vmem>>, vector<1x256x1x1024xf32>
    %swap3A_46 = vector.shape_cast %swap3A_45 : vector<1x256x1x1024xf32> to vector<256x1024xf32>
    %swap3A_47 = vector.shape_cast %add3A_40 : vector<256x1024xf32> to vector<1x256x1x1024xf32>
    tpu.vector_store %arg13[%swap3A_41, %swap3A_42, %swap3A_43, %swap3A_44], %swap3A_47 {strides = array<i32>} : memref<1x256x8x1024xf32, #tpu.memory_space<vmem>>, vector<1x256x1x1024xf32>,
    %get3A_48 = arith.constant 0 : index
    %get3A_49 = arith.constant 0 : index
    %get3A_50 = arith.constant 0 : index
    %get3A_51 = vector.load %arg5[%get3A_48, %get3A_49, %get3A_50] : memref<1x256x6xf32, #tpu.memory_space<vmem>>, vector<1x256x6xf32>
    %get3A_52 = vector.shape_cast %get3A_51 : vector<1x256x6xf32> to vector<256x6xf32>
    %get3A_53 = arith.constant 0 : index
    %get3A_54 = arith.constant 0 : index
    %get3A_55 = vector.load %arg11[%get3A_53, %get3A_54] : memref<1x1024xf32, #tpu.memory_space<vmem>>, vector<1x1024xf32>
    %get3A_56 = arith.constant 0 : index
    %get3A_57 = arith.constant 0 : index
    %get3A_58 = vector.load %arg12[%get3A_56, %get3A_57] : memref<6x1024xf32, #tpu.memory_space<vmem>>, vector<1x1024xf32>
    %get3A_59 = vector.shape_cast %get3A_58 : vector<1x1024xf32> to vector<1024xf32>
    %broadcast_in_dim3A = vector.shape_cast %get3A_59 : vector<1024xf32> to vector<1x1024xf32>
    %add3A_60 = arith.addf %get3A_55, %broadcast_in_dim3A : vector<1x1024xf32>
    %slice3A = vector.extract_strided_slice %get3A_52 {offsets = [0, 0], sizes = [256, 1], strides = [1, 1]} : vector<256x6xf32> to vector<256x1xf32>
    %squeeze3A = vector.shape_cast %slice3A : vector<256x1xf32> to vector<256xf32>
    %broadcast_in_dim3A_61 = vector.shape_cast %squeeze3A : vector<256xf32> to vector<256x1xf32>
    %get3A_62 = arith.constant 0 : index
    %get3A_63 = arith.constant 0 : index
    %get3A_64 = vector.load %arg8[%get3A_62, %get3A_63] : memref<1x1024xf32, #tpu.memory_space<vmem>>, vector<1x1024xf32>
    %mul3A_65 = vector.broadcast %broadcast_in_dim3A_61 : vector<256x1xf32> to vector<256x1024xf32>
    %mul3A_66 = vector.broadcast %get3A_64 : vector<1x1024xf32> to vector<256x1024xf32>
    %mul3A_67 = arith.mulf %mul3A_65, %mul3A_66 : vector<256x1024xf32>
    %add3A_68 = vector.broadcast %add3A_60 : vector<1x1024xf32> to vector<256x1024xf32>
    %add3A_69 = arith.addf %mul3A_67, %add3A_68 : vector<256x1024xf32>
    %add3A_70 = arith.addf %add3A_69, %get3A_3 : vector<256x1024xf32>
    %swap3A_71 = arith.constant 0 : index
    %swap3A_72 = arith.constant 0 : index
    %swap3A_73 = arith.constant 2 : index
    %swap3A_74 = arith.constant 0 : index
    %swap3A_75 = vector.load %arg13[%swap3A_71, %swap3A_72, %swap3A_73, %swap3A_74] : memref<1x256x8x1024xf32, #tpu.memory_space<vmem>>, vector<1x256x1x1024xf32>
    %swap3A_76 = vector.shape_cast %swap3A_75 : vector<1x256x1x1024xf32> to vector<256x1024xf32>
    %swap3A_77 = vector.shape_cast %add3A_70 : vector<256x1024xf32> to vector<1x256x1x1024xf32>
    tpu.vector_store %arg13[%swap3A_71, %swap3A_72, %swap3A_73, %swap3A_74], %swap3A_77 {strides = array<i32>} : memref<1x256x8x1024xf32, #tpu.memory_space<vmem>>, vector<1x256x1x1024xf32>,
    %get3A_78 = arith.constant 0 : index
    %get3A_79 = arith.constant 0 : index
    %get3A_80 = vector.load %arg11[%get3A_78, %get3A_79] : memref<1x1024xf32, #tpu.memory_space<vmem>>, vector<1x1024xf32>
    %get3A_81 = arith.constant 1 : index
    %get3A_82 = arith.constant 0 : index
    %get3A_83 = vector.load %arg12[%get3A_81, %get3A_82] : memref<6x1024xf32, #tpu.memory_space<vmem>>, vector<1x1024xf32>
    %get3A_84 = vector.shape_cast %get3A_83 : vector<1x1024xf32> to vector<1024xf32>
    %broadcast_in_dim3A_85 = vector.shape_cast %get3A_84 : vector<1024xf32> to vector<1x1024xf32>
    %add3A_86 = arith.addf %get3A_80, %broadcast_in_dim3A_85 : vector<1x1024xf32>
    %slice3A_87 = vector.extract_strided_slice %get3A_52 {offsets = [0, 1], sizes = [256, 1], strides = [1, 1]} : vector<256x6xf32> to vector<256x1xf32>
    %squeeze3A_88 = vector.shape_cast %slice3A_87 : vector<256x1xf32> to vector<256xf32>
    %broadcast_in_dim3A_89 = vector.shape_cast %squeeze3A_88 : vector<256xf32> to vector<256x1xf32>
    %get3A_90 = arith.constant 0 : index
    %get3A_91 = arith.constant 0 : index
    %get3A_92 = vector.load %arg8[%get3A_90, %get3A_91] : memref<1x1024xf32, #tpu.memory_space<vmem>>, vector<1x1024xf32>
    %mul3A_93 = vector.broadcast %broadcast_in_dim3A_89 : vector<256x1xf32> to vector<256x1024xf32>
    %mul3A_94 = vector.broadcast %get3A_92 : vector<1x1024xf32> to vector<256x1024xf32>
    %mul3A_95 = arith.mulf %mul3A_93, %mul3A_94 : vector<256x1024xf32>
    %add3A_96 = vector.broadcast %add3A_86 : vector<1x1024xf32> to vector<256x1024xf32>
    %add3A_97 = arith.addf %mul3A_95, %add3A_96 : vector<256x1024xf32>
    %add3A_98 = arith.addf %add3A_97, %get3A_3 : vector<256x1024xf32>
    %swap3A_99 = arith.constant 0 : index
    %swap3A_100 = arith.constant 0 : index
    %swap3A_101 = arith.constant 3 : index
    %swap3A_102 = arith.constant 0 : index
    %swap3A_103 = vector.load %arg13[%swap3A_99, %swap3A_100, %swap3A_101, %swap3A_102] : memref<1x256x8x1024xf32, #tpu.memory_space<vmem>>, vector<1x256x1x1024xf32>
    %swap3A_104 = vector.shape_cast %swap3A_103 : vector<1x256x1x1024xf32> to vector<256x1024xf32>
    %swap3A_105 = vector.shape_cast %add3A_98 : vector<256x1024xf32> to vector<1x256x1x1024xf32>
    tpu.vector_store %arg13[%swap3A_99, %swap3A_100, %swap3A_101, %swap3A_102], %swap3A_105 {strides = array<i32>} : memref<1x256x8x1024xf32, #tpu.memory_space<vmem>>, vector<1x256x1x1024xf32>,
    %get3A_106 = arith.constant 0 : index
    %get3A_107 = arith.constant 0 : index
    %get3A_108 = vector.load %arg11[%get3A_106, %get3A_107] : memref<1x1024xf32, #tpu.memory_space<vmem>>, vector<1x1024xf32>
    %get3A_109 = arith.constant 2 : index
    %get3A_110 = arith.constant 0 : index
    %get3A_111 = vector.load %arg12[%get3A_109, %get3A_110] : memref<6x1024xf32, #tpu.memory_space<vmem>>, vector<1x1024xf32>
    %get3A_112 = vector.shape_cast %get3A_111 : vector<1x1024xf32> to vector<1024xf32>
    %broadcast_in_dim3A_113 = vector.shape_cast %get3A_112 : vector<1024xf32> to vector<1x1024xf32>
    %add3A_114 = arith.addf %get3A_108, %broadcast_in_dim3A_113 : vector<1x1024xf32>
    %slice3A_115 = vector.extract_strided_slice %get3A_52 {offsets = [0, 2], sizes = [256, 1], strides = [1, 1]} : vector<256x6xf32> to vector<256x1xf32>
    %squeeze3A_116 = vector.shape_cast %slice3A_115 : vector<256x1xf32> to vector<256xf32>
    %broadcast_in_dim3A_117 = vector.shape_cast %squeeze3A_116 : vector<256xf32> to vector<256x1xf32>
    %get3A_118 = arith.constant 0 : index
    %get3A_119 = arith.constant 0 : index
    %get3A_120 = vector.load %arg8[%get3A_118, %get3A_119] : memref<1x1024xf32, #tpu.memory_space<vmem>>, vector<1x1024xf32>
    %mul3A_121 = vector.broadcast %broadcast_in_dim3A_117 : vector<256x1xf32> to vector<256x1024xf32>
    %mul3A_122 = vector.broadcast %get3A_120 : vector<1x1024xf32> to vector<256x1024xf32>
    %mul3A_123 = arith.mulf %mul3A_121, %mul3A_122 : vector<256x1024xf32>
    %add3A_124 = vector.broadcast %add3A_114 : vector<1x1024xf32> to vector<256x1024xf32>
    %add3A_125 = arith.addf %mul3A_123, %add3A_124 : vector<256x1024xf32>
    %add3A_126 = arith.addf %add3A_125, %get3A_3 : vector<256x1024xf32>
    %swap3A_127 = arith.constant 0 : index
    %swap3A_128 = arith.constant 0 : index
    %swap3A_129 = arith.constant 4 : index
    %swap3A_130 = arith.constant 0 : index
    %swap3A_131 = vector.load %arg13[%swap3A_127, %swap3A_128, %swap3A_129, %swap3A_130] : memref<1x256x8x1024xf32, #tpu.memory_space<vmem>>, vector<1x256x1x1024xf32>
    %swap3A_132 = vector.shape_cast %swap3A_131 : vector<1x256x1x1024xf32> to vector<256x1024xf32>
    %swap3A_133 = vector.shape_cast %add3A_126 : vector<256x1024xf32> to vector<1x256x1x1024xf32>
    tpu.vector_store %arg13[%swap3A_127, %swap3A_128, %swap3A_129, %swap3A_130], %swap3A_133 {strides = array<i32>} : memref<1x256x8x1024xf32, #tpu.memory_space<vmem>>, vector<1x256x1x1024xf32>,
    %get3A_134 = arith.constant 0 : index
    %get3A_135 = arith.constant 0 : index
    %get3A_136 = vector.load %arg11[%get3A_134, %get3A_135] : memref<1x1024xf32, #tpu.memory_space<vmem>>, vector<1x1024xf32>
    %get3A_137 = arith.constant 3 : index
    %get3A_138 = arith.constant 0 : index
    %get3A_139 = vector.load %arg12[%get3A_137, %get3A_138] : memref<6x1024xf32, #tpu.memory_space<vmem>>, vector<1x1024xf32>
    %get3A_140 = vector.shape_cast %get3A_139 : vector<1x1024xf32> to vector<1024xf32>
    %broadcast_in_dim3A_141 = vector.shape_cast %get3A_140 : vector<1024xf32> to vector<1x1024xf32>
    %add3A_142 = arith.addf %get3A_136, %broadcast_in_dim3A_141 : vector<1x1024xf32>
    %slice3A_143 = vector.extract_strided_slice %get3A_52 {offsets = [0, 3], sizes = [256, 1], strides = [1, 1]} : vector<256x6xf32> to vector<256x1xf32>
    %squeeze3A_144 = vector.shape_cast %slice3A_143 : vector<256x1xf32> to vector<256xf32>
    %broadcast_in_dim3A_145 = vector.shape_cast %squeeze3A_144 : vector<256xf32> to vector<256x1xf32>
    %get3A_146 = arith.constant 0 : index
    %get3A_147 = arith.constant 0 : index
    %get3A_148 = vector.load %arg8[%get3A_146, %get3A_147] : memref<1x1024xf32, #tpu.memory_space<vmem>>, vector<1x1024xf32>
    %mul3A_149 = vector.broadcast %broadcast_in_dim3A_145 : vector<256x1xf32> to vector<256x1024xf32>
    %mul3A_150 = vector.broadcast %get3A_148 : vector<1x1024xf32> to vector<256x1024xf32>
    %mul3A_151 = arith.mulf %mul3A_149, %mul3A_150 : vector<256x1024xf32>
    %add3A_152 = vector.broadcast %add3A_142 : vector<1x1024xf32> to vector<256x1024xf32>
    %add3A_153 = arith.addf %mul3A_151, %add3A_152 : vector<256x1024xf32>
    %add3A_154 = arith.addf %add3A_153, %get3A_3 : vector<256x1024xf32>
    %swap3A_155 = arith.constant 0 : index
    %swap3A_156 = arith.constant 0 : index
    %swap3A_157 = arith.constant 5 : index
    %swap3A_158 = arith.constant 0 : index
    %swap3A_159 = vector.load %arg13[%swap3A_155, %swap3A_156, %swap3A_157, %swap3A_158] : memref<1x256x8x1024xf32, #tpu.memory_space<vmem>>, vector<1x256x1x1024xf32>
    %swap3A_160 = vector.shape_cast %swap3A_159 : vector<1x256x1x1024xf32> to vector<256x1024xf32>
    %swap3A_161 = vector.shape_cast %add3A_154 : vector<256x1024xf32> to vector<1x256x1x1024xf32>
    tpu.vector_store %arg13[%swap3A_155, %swap3A_156, %swap3A_157, %swap3A_158], %swap3A_161 {strides = array<i32>} : memref<1x256x8x1024xf32, #tpu.memory_space<vmem>>, vector<1x256x1x1024xf32>,
    %get3A_162 = arith.constant 0 : index
    %get3A_163 = arith.constant 0 : index
    %get3A_164 = vector.load %arg11[%get3A_162, %get3A_163] : memref<1x1024xf32, #tpu.memory_space<vmem>>, vector<1x1024xf32>
    %get3A_165 = arith.constant 4 : index
    %get3A_166 = arith.constant 0 : index
    %get3A_167 = vector.load %arg12[%get3A_165, %get3A_166] : memref<6x1024xf32, #tpu.memory_space<vmem>>, vector<1x1024xf32>
    %get3A_168 = vector.shape_cast %get3A_167 : vector<1x1024xf32> to vector<1024xf32>
    %broadcast_in_dim3A_169 = vector.shape_cast %get3A_168 : vector<1024xf32> to vector<1x1024xf32>
    %add3A_170 = arith.addf %get3A_164, %broadcast_in_dim3A_169 : vector<1x1024xf32>
    %slice3A_171 = vector.extract_strided_slice %get3A_52 {offsets = [0, 4], sizes = [256, 1], strides = [1, 1]} : vector<256x6xf32> to vector<256x1xf32>
    %squeeze3A_172 = vector.shape_cast %slice3A_171 : vector<256x1xf32> to vector<256xf32>
    %broadcast_in_dim3A_173 = vector.shape_cast %squeeze3A_172 : vector<256xf32> to vector<256x1xf32>
    %get3A_174 = arith.constant 0 : index
    %get3A_175 = arith.constant 0 : index
    %get3A_176 = vector.load %arg8[%get3A_174, %get3A_175] : memref<1x1024xf32, #tpu.memory_space<vmem>>, vector<1x1024xf32>
    %mul3A_177 = vector.broadcast %broadcast_in_dim3A_173 : vector<256x1xf32> to vector<256x1024xf32>
    %mul3A_178 = vector.broadcast %get3A_176 : vector<1x1024xf32> to vector<256x1024xf32>
    %mul3A_179 = arith.mulf %mul3A_177, %mul3A_178 : vector<256x1024xf32>
    %add3A_180 = vector.broadcast %add3A_170 : vector<1x1024xf32> to vector<256x1024xf32>
    %add3A_181 = arith.addf %mul3A_179, %add3A_180 : vector<256x1024xf32>
    %add3A_182 = arith.addf %add3A_181, %get3A_3 : vector<256x1024xf32>
    %swap3A_183 = arith.constant 0 : index
    %swap3A_184 = arith.constant 0 : index
    %swap3A_185 = arith.constant 6 : index
    %swap3A_186 = arith.constant 0 : index
    %swap3A_187 = vector.load %arg13[%swap3A_183, %swap3A_184, %swap3A_185, %swap3A_186] : memref<1x256x8x1024xf32, #tpu.memory_space<vmem>>, vector<1x256x1x1024xf32>
    %swap3A_188 = vector.shape_cast %swap3A_187 : vector<1x256x1x1024xf32> to vector<256x1024xf32>
    %swap3A_189 = vector.shape_cast %add3A_182 : vector<256x1024xf32> to vector<1x256x1x1024xf32>
    tpu.vector_store %arg13[%swap3A_183, %swap3A_184, %swap3A_185, %swap3A_186], %swap3A_189 {strides = array<i32>} : memref<1x256x8x1024xf32, #tpu.memory_space<vmem>>, vector<1x256x1x1024xf32>,
    %get3A_190 = arith.constant 0 : index
    %get3A_191 = arith.constant 0 : index
    %get3A_192 = vector.load %arg11[%get3A_190, %get3A_191] : memref<1x1024xf32, #tpu.memory_space<vmem>>, vector<1x1024xf32>
    %get3A_193 = arith.constant 5 : index
    %get3A_194 = arith.constant 0 : index
    %get3A_195 = vector.load %arg12[%get3A_193, %get3A_194] : memref<6x1024xf32, #tpu.memory_space<vmem>>, vector<1x1024xf32>
    %get3A_196 = vector.shape_cast %get3A_195 : vector<1x1024xf32> to vector<1024xf32>
    %broadcast_in_dim3A_197 = vector.shape_cast %get3A_196 : vector<1024xf32> to vector<1x1024xf32>
    %add3A_198 = arith.addf %get3A_192, %broadcast_in_dim3A_197 : vector<1x1024xf32>
    %slice3A_199 = vector.extract_strided_slice %get3A_52 {offsets = [0, 5], sizes = [256, 1], strides = [1, 1]} : vector<256x6xf32> to vector<256x1xf32>
    %squeeze3A_200 = vector.shape_cast %slice3A_199 : vector<256x1xf32> to vector<256xf32>
    %broadcast_in_dim3A_201 = vector.shape_cast %squeeze3A_200 : vector<256xf32> to vector<256x1xf32>
    %get3A_202 = arith.constant 0 : index
    %get3A_203 = arith.constant 0 : index
    %get3A_204 = vector.load %arg8[%get3A_202, %get3A_203] : memref<1x1024xf32, #tpu.memory_space<vmem>>, vector<1x1024xf32>
    %mul3A_205 = vector.broadcast %broadcast_in_dim3A_201 : vector<256x1xf32> to vector<256x1024xf32>
    %mul3A_206 = vector.broadcast %get3A_204 : vector<1x1024xf32> to vector<256x1024xf32>
    %mul3A_207 = arith.mulf %mul3A_205, %mul3A_206 : vector<256x1024xf32>
    %add3A_208 = vector.broadcast %add3A_198 : vector<1x1024xf32> to vector<256x1024xf32>
    %add3A_209 = arith.addf %mul3A_207, %add3A_208 : vector<256x1024xf32>
    %add3A_210 = arith.addf %add3A_209, %get3A_3 : vector<256x1024xf32>
    %swap3A_211 = arith.constant 0 : index
    %swap3A_212 = arith.constant 0 : index
    %swap3A_213 = arith.constant 7 : index
    %swap3A_214 = arith.constant 0 : index
    %swap3A_215 = vector.load %arg13[%swap3A_211, %swap3A_212, %swap3A_213, %swap3A_214] : memref<1x256x8x1024xf32, #tpu.memory_space<vmem>>, vector<1x256x1x1024xf32>
    %swap3A_216 = vector.shape_cast %swap3A_215 : vector<1x256x1x1024xf32> to vector<256x1024xf32>
    %swap3A_217 = vector.shape_cast %add3A_210 : vector<256x1024xf32> to vector<1x256x1x1024xf32>
    tpu.vector_store %arg13[%swap3A_211, %swap3A_212, %swap3A_213, %swap3A_214], %swap3A_217 {strides = array<i32>} : memref<1x256x8x1024xf32, #tpu.memory_space<vmem>>, vector<1x256x1x1024xf32>,
    return
  }
  func.func @transform_0(%arg0: i32, %arg1: i32) -> (i32, i32, i32) {
    %c0_i32 = arith.constant 0 : i32
    %c0_i32_0 = arith.constant 0 : i32
    return %arg0, %arg1, %c0_i32 : i32, i32, i32
  }
  func.func @transform_1(%arg0: i32, %arg1: i32) -> (i32, i32, i32) {
    %c0_i32 = arith.constant 0 : i32
    %c0_i32_0 = arith.constant 0 : i32
    return %arg0, %arg1, %c0_i32 : i32, i32, i32
  }
  func.func @transform_2(%arg0: i32, %arg1: i32) -> (i32, i32, i32) {
    %c0_i32 = arith.constant 0 : i32
    %c0_i32_0 = arith.constant 0 : i32
    return %arg0, %arg1, %c0_i32 : i32, i32, i32
  }
  func.func @transform_3(%arg0: i32, %arg1: i32) -> (i32, i32, i32) {
    %c0_i32 = arith.constant 0 : i32
    %c0_i32_0 = arith.constant 0 : i32
    return %arg0, %arg1, %c0_i32 : i32, i32, i32
  }
  func.func @transform_4(%arg0: i32, %arg1: i32) -> (i32, i32) {
    %c0_i32 = arith.constant 0 : i32
    %c0_i32_0 = arith.constant 0 : i32
    %c0_i32_1 = arith.constant 0 : i32
    return %c0_i32, %c0_i32_0 : i32, i32
  }
  func.func @transform_5(%arg0: i32, %arg1: i32) -> (i32, i32) {
    %c0_i32 = arith.constant 0 : i32
    %c0_i32_0 = arith.constant 0 : i32
    %c0_i32_1 = arith.constant 0 : i32
    return %c0_i32, %c0_i32_0 : i32, i32
  }
  func.func @transform_6(%arg0: i32, %arg1: i32) -> (i32, i32) {
    %c0_i32 = arith.constant 0 : i32
    %c0_i32_0 = arith.constant 0 : i32
    %c0_i32_1 = arith.constant 0 : i32
    return %c0_i32, %c0_i32_0 : i32, i32
  }
  func.func @transform_7(%arg0: i32, %arg1: i32) -> (i32, i32) {
    %c0_i32 = arith.constant 0 : i32
    %c0_i32_0 = arith.constant 0 : i32
    %c0_i32_1 = arith.constant 0 : i32
    return %c0_i32, %c0_i32_0 : i32, i32
  }
  func.func @transform_8(%arg0: i32, %arg1: i32) -> (i32, i32) {
    %c0_i32 = arith.constant 0 : i32
    %c0_i32_0 = arith.constant 0 : i32
    %c0_i32_1 = arith.constant 0 : i32
    return %c0_i32, %c0_i32_0 : i32, i32
  }
  func.func @transform_9(%arg0: i32, %arg1: i32) -> (i32, i32) {
    %c0_i32 = arith.constant 0 : i32
    %c0_i32_0 = arith.constant 0 : i32
    %c0_i32_1 = arith.constant 0 : i32
    return %c0_i32, %c0_i32_0 : i32, i32
  }
  func.func @transform_10(%arg0: i32, %arg1: i32) -> (i32, i32) {
    %c0_i32 = arith.constant 0 : i32
    %c0_i32_0 = arith.constant 0 : i32
    %c0_i32_1 = arith.constant 0 : i32
    return %c0_i32, %c0_i32_0 : i32, i32
  }
  func.func @transform_11(%arg0: i32, %arg1: i32) -> (i32, i32, i32, i32) {
    %c0_i32 = arith.constant 0 : i32
    %c0_i32_0 = arith.constant 0 : i32
    %c0_i32_1 = arith.constant 0 : i32
    return %arg0, %arg1, %c0_i32, %c0_i32_0 : i32, i32, i32, i32
  }
}

</mosaic_0001>

<sc_bundles>
// kernel: kernel.4.cloned.1.call-start
scs
__scs_entry_jumppad:
0x0: {  	(pc) =	sbr.rel $0x88, $3  }
0x1: {  	(tag) =	ssettag $0x0;
	lr =	simm.s32 $0x1  }
0x2: {  	[smem:$0x3F94] =	sst lr;
	_ =	strace $0xD0000000  }
0x3: {  	_ = 	snop  }
0x4: {  	_ = 	snop  }
0x5: {  	_ = 	snop  }
0x6: {  	_ = 	snop  }
0x7: {  	_ = 	snop  }
__scs_overlays_trampoline_lowered:
0x8: {  	[smem:$0x3FA3] =	sst s0  }
0x9: {  	[smem:$0x3FA4] =	sst s1  }
0xa: {  	[smem:$0x3FA5] =	sst s2  }
0xb: {  	[smem:$0x3FA6] =	sst s3  }
0xc: {  	[smem:$0x3FA7] =	sst s4  }
0xd: {  	[smem:$0x3FA8] =	sst s5  }
0xe: {  	[smem:$0x3FA9] =	sst s6  }
0xf: {  	[smem:$0x3FAA] =	sst s7  }
0x10: {  	[smem:$0x3FAB] =	sst s8  }
0x11: {  	[smem:$0x3FAC] =	sst s9;
	s0 =	simm.s32 @!p0 $0x0  }
0x12: {  	s1 =	sld [smem:$0x3F92];
	s0 =	simm.s32 @p0 $0x1  }
0x13: {  	[smem:$0x3FAD] =	sst s0;
	s0 =	simm.s32 @!p1 $0x0  }
0x14: {  	s2 =	sld [smem:$0x3F91];
	s0 =	simm.s32 @p1 $0x1  }
0x15: {  	[smem:$0x3FAE] =	sst s0;
	s0 =	simm.s32 @!p2 $0x0  }
0x16: {  	s3 =	sld [smem:$0x3FDB];
	s0 =	simm.s32 @p2 $0x1  }
0x17: {  	s4 =	simm.s32 $0x1BF5;
	[smem:$0x3FB0] =	sst s0  }
0x18: {  	s0 =	sld [smem:$0x3F93];
	_ =	swait.ge [sflag:s4], $0x0  }
0x19: {  	s7 =	sld [smem:$0x3F94]  }
0x1a: {  	s8 =	sadd.s32 $0xFFFFE003, lr  }
0x1b: {  	s9 =	sadd.s32 $0xFFFFFEF7, lr;
	s5 =	simm.s32 $0xFFFFFFFF;
	p2 =	slt.u32 s8, $0xFFFFF086  }
0x1c: {  	p1 =	slt.u32 s9, $0xF7A;
	s5 =	simm.s32 @!p2 $0x0  }
0x1d: {  	s5 =	simm.s32 @p1 $0x1;
	p0 =	seq.s32 s7, s2  }
0x1e: {  	s7 =	smul.u32 @!p0 $0xF7A, s2;
	p2 =	seq.s32 @!p0 s5, $0x0  }
0x1f: {  	s9 =	smul.u32 $0xF7A, s1;
	s8 =	simm.s32 @!p0 $0x1BF5;
	p2 =	por !p2, p0  }
0x20: {  	[sflag:s8] =	ssyncset.s32 @!p0 $0xFFFFF086;
	s6 =	sadd.s32 @!p0 s3, s7;
	s7 =	simm.s32 @!p0 $0x108  }
0x21: {  	s3 =	sadd.s32 s3, s9;
	s6 =	sadd.s32 @!p0 $0x88, s6;
	s7 =	simm.s32 @p2 $0x1082  }
0x22: {  	[simem:s7], [sflag:s8] =	dma.local @!p0 [hbm:s6], $0xF7A  }
0x23: {  	s9 =	sor.u32 $0xD0000000, s2;
	s6 =	simm.s32 $0x108;
	_ =	swait.ge @!p0 [sflag:s8], $0x0  }
0x24: {  	s3 =	sadd.s32 $0x88, s3;
	s6 =	simm.s32 @!p1 $0x1082;
	[sflag:s4] =	ssyncset.s32 $0xFFFFF086  }
0x25: {  	[simem:s6], [sflag:s4] =	dma.local [hbm:s3], $0xF7A  }
0x26: {  	[smem:$0x3F94] =	sst s1;
	(tag) =	ssettag s2;
	_ =	strace s9  }
0x27: {  	s1 =	sld [smem:$0x3FA4]  }
0x28: {  	s2 =	sld [smem:$0x3FA5]  }
0x29: {  	s4 =	sld [smem:$0x3FA7]  }
0x2a: {  	p0 =	seq.s32 s5, $0x0;
	s5 =	sld [smem:$0x3FA8]  }
0x2b: {  	s6 =	sld [smem:$0x3FA9]  }
0x2c: {  	s7 =	sld [smem:$0x3FAA]  }
0x2d: {  	s3 =	simm.s32 $0x108;
	s8 =	sld [smem:$0x3FAB]  }
0x2e: {  	s3 =	simm.s32 @!p0 $0x1082;
	s9 =	sld [smem:$0x3FAC]  }
0x2f: {  	lr =	sadd.s32 s0, s3;
	s0 =	sld [smem:$0x3FA3]  }
0x30: {  	s3 =	sld [smem:$0x3FA6]  }
0x31: {  	[smem:$0x3FAF] =	sst s10  }
0x32: {  	s10 =	sld [smem:$0x3FAD];
	_ =	sdelay $0x3  }
0x33: {  	p0 =	seq.s32 s10, $0x1;
	s10 =	sld [smem:$0x3FAF];
	_ =	sdelay $0x3  }
0x34: {  	[smem:$0x3FAF] =	sst s10  }
0x35: {  	s10 =	sld [smem:$0x3FAE];
	_ =	sdelay $0x3  }
0x36: {  	p1 =	seq.s32 s10, $0x1;
	s10 =	sld [smem:$0x3FAF];
	_ =	sdelay $0x3  }
0x37: {  	[smem:$0x3FAF] =	sst s10  }
0x38: {  	s10 =	sld [smem:$0x3FB0]  }
0x39: {  	_ = 	snop;
	(pc) =	sbr.ind lr, $3  }
0x3a: {  	_ = 	snop  }
0x3b: {  	_ = 	snop  }
0x3c: {  	p2 =	seq.s32 s10, $0x1;
	s10 =	sld [smem:$0x3FAF]  }
0x3d: {  	_ =	shalt  }
0x3e: {  	_ =	shalt  }
0x3f: {  	_ =	shalt  }
0x40: {  	_ =	shalt  }
0x41: {  	_ =	shalt  }
0x42: {  	_ =	shalt  }
0x43: {  	_ =	shalt  }
0x44: {  	_ =	shalt  }
0x45: {  	_ =	shalt  }
0x46: {  	_ =	shalt  }
0x47: {  	_ =	shalt  }
0x48: {  	_ =	shalt  }
0x49: {  	_ =	shalt  }
0x4a: {  	_ =	shalt  }
0x4b: {  	_ =	shalt  }
0x4c: {  	_ =	shalt  }
0x4d: {  	_ =	shalt  }
0x4e: {  	_ =	shalt  }
0x4f: {  	_ =	shalt  }
0x50: {  	_ =	shalt  }
0x51: {  	_ =	shalt  }
0x52: {  	_ =	shalt  }
0x53: {  	_ =	shalt  }
0x54: {  	_ =	shalt  }
0x55: {  	_ =	shalt  }
0x56: {  	_ =	shalt  }
0x57: {  	_ =	shalt  }
0x58: {  	_ =	shalt  }
0x59: {  	_ =	shalt  }
0x5a: {  	_ =	shalt  }
0x5b: {  	_ =	shalt  }
0x5c: {  	_ =	shalt  }
0x5d: {  	_ =	shalt  }
0x5e: {  	_ =	shalt  }
0x5f: {  	_ =	shalt  }
0x60: {  	_ =	shalt  }
0x61: {  	_ =	shalt  }
0x62: {  	_ =	shalt  }
0x63: {  	_ =	shalt  }
0x64: {  	_ =	shalt  }
0x65: {  	_ =	shalt  }
0x66: {  	_ =	shalt  }
0x67: {  	_ =	shalt  }
0x68: {  	_ =	shalt  }
0x69: {  	_ =	shalt  }
0x6a: {  	_ =	shalt  }
0x6b: {  	_ =	shalt  }
0x6c: {  	_ =	shalt  }
0x6d: {  	_ =	shalt  }
0x6e: {  	_ =	shalt  }
0x6f: {  	_ =	shalt  }
0x70: {  	_ =	shalt  }
0x71: {  	_ =	shalt  }
0x72: {  	_ =	shalt  }
0x73: {  	_ =	shalt  }
0x74: {  	_ =	shalt  }
0x75: {  	_ =	shalt  }
0x76: {  	_ =	shalt  }
0x77: {  	_ =	shalt  }
0x78: {  	_ =	shalt  }
0x79: {  	_ =	shalt  }
0x7a: {  	_ =	shalt  }
0x7b: {  	_ =	shalt  }
0x7c: {  	_ =	shalt  }
0x7d: {  	_ =	shalt  }
0x7e: {  	_ =	shalt  }
0x7f: {  	_ =	shalt  }
0x80: {  	_ =	shalt  }
0x81: {  	_ =	shalt  }
0x82: {  	_ =	shalt  }
0x83: {  	_ =	shalt  }
0x84: {  	_ =	shalt  }
0x85: {  	_ =	shalt  }
0x86: {  	_ =	shalt  }
0x87: {  	_ =	shalt  }
.Lfunc_end0:
.L_simem_size_0:
called_computation_lowered:
.L_overlay_start_0:
0x88: {  	s2 =	sld [smem:$0x3FD9]  }
0x89: {  	s3 =	sld [smem:$0x3FFE];
	_ =	sdelay $0x1  }
0x8a: {  	s1 =	srdreg.scid  }
0x8b: {  	s0 =	sand.u32 $0x1, s1  }
0x8c: {  	s14 =	sshll.u32 s0, $0xA;
	s2 =	sadd.s32 s3, s2  }
0x8d: {  	s2 =	sadd.s32 s2, s14  }
0x8e: {  	[smem:$0x3FBB] =	sst s2  }
0x8f: {  	_ = 	snop  }
0x90: {  	s2 =	sld [smem:$0x3FD0];
	_ =	sdelay $0x2  }
0x91: {  	s4 =	simm.s32 $0xA;
	s5 =	simm.s32 $0x10;
	s15 =	sld [smem:$0x3FC4]  }
0x92: {  	[smem:s5], [sflag:s4] =	dma.local [hbm:s2], $0x1  }
0x93: {  	_ =	swait.eq [sflag:s4], $0x1  }
0x94: {  	[sflag:s4] =	ssyncset.done $0x0  }
0x95: {  	[sflag:s4] =	ssyncadd.s32 $0xFFFFFFFF  }
0x96: {  	s16 =	sld [smem:$0x10];
	(tm) =	ssettm $0x1  }
0x97: {  	s17 =	sld [smem:$0x3FFB];
	_ =	sdelay $0x3  }
0x98: {  	_ =	strace s17  }
0x99: {  	s4 =	sld [smem:$0x3FFC];
	_ =	sdelay $0x3  }
0x9a: {  	_ =	strace s4  }
0x9b: {  	s4 =	sld [smem:$0x3FFD];
	_ =	sdelay $0x3  }
0x9c: {  	_ =	strace s4  }
0x9d: {  	_ =	strace $0x8FFFFFFF  }
0x9e: {  	s18 =	sld [smem:$0x3FDB];
	_ =	sdelay $0x1  }
0x9f: {  	s19 =	simm.s32 $_scs_section_size  }
0xa0: {  	s6 =	simm.s32 $_size__tile_overlayer_lowered;
	s7 =	simm.s32 $_tile_overlayer_lowered  }
0xa1: {  	s22 =	simm.s32 $0x1BFF;
	s21 =	sshll.u32 s7, $0x1;
	s4 =	sadd.s32 s19, s18  }
0xa2: {  	s8 =	simm.s32 $0x0;
	s20 =	sshll.u32 s6, $0x1;
	s6 =	sadd.s32 s21, s4  }
0xa3: {  	[timem:s8], [sflag:s22] =	dma.local [hbm:s6], s20  }
0xa4: {  	_ =	swait.ge [sflag:s22], s20  }
0xa5: {  	s5 =	ssub.s32 $0x0, s20;
	[sflag:s22] =	ssyncset.done $0x0  }
0xa6: {  	[sflag:s22] =	ssyncadd.s32 s5;
	_ =	sdelay $0x1  }
0xa7: {  	s23 =	simm.s32 $0x1B8B  }
0xa8: {  	_ =	swait.ge [sflag:s23], $0x1  }
0xa9: {  	[sflag:s23] =	ssyncset.done $0x0  }
0xaa: {  	s25 =	simm.s32 $0x1B8E;
	s24 =	sld [smem:$0x3FFE];
	[sflag:s23] =	ssyncadd.s32 $0xFFFFFFFF  }
0xab: {  	s26 =	simm.s32 $execute0_lowered;
	[smem:$0x3FD2] =	sst s25  }
0xac: {  	s6 =	sshll.u32 s26, $0x1;
	_ =	strace $0x80000046;
	[dreg:$0x1] =	wrdreg $0xFFFFFFFF  }
0xad: {  	s28 =	simm.s32 $_size_execute0_lowered;
	s4 =	sadd.s32 s4, s6;
	[dreg:$0x0] =	wrdreg $0x0  }
0xae: {  	s6 =	sshll.u32 s28, $0x1;
	[dreg:$0x2] =	wrdreg s4  }
0xaf: {  	[dreg:$0x3] =	wrdreg s6  }
0xb0: {  	[dreg:$0x4] =	wrdreg $0xC0  }
0xb1: {  	_ =	task [dreg:s8], $0x5FFFF  }
0xb2: {  	[dreg:$0x1] =	wrdreg $0xFFFFFFFF  }
0xb3: {  	[dreg:$0x0] =	wrdreg $0x60  }
0xb4: {  	[dreg:$0x2] =	wrdreg s15  }
0xb5: {  	[dreg:$0x3] =	wrdreg s16  }
0xb6: {  	[dreg:$0x4] =	wrdreg s24  }
0xb7: {  	[dreg:$0x5] =	wrdreg $0x9  }
0xb8: {  	_ =	task.clear_ibuf [dreg:s8], $0x6FFFF;
	_ =	strace $0x90000046  }
0xb9: {  	s29 =	simm.s32 $0x9;
	_ =	strace $0x80000048  }
0xba: {  	_ =	swait.ge [sflag:s29], $0x1  }
0xbb: {  	[sflag:s29] =	ssyncadd.s32 $0xFFFFFFFF  }
0xbc: {  	_ =	strace $0x90000048  }
0xbd: {  	_ =	sfence  }
0xbe: {  	s30 =	sld [smem:$0x0];
	_ =	sdelay $0x2  }
0xbf: {  	s31 =	sshll.u32 s1, $0xD;
	s1 =	sshrl.u32 s1, $0x2  }
0xc0: {  	s3 =	sand.u32 $0x4000, s31;
	s1 =	sadd.s32 s1, s30  }
0xc1: {  	s0 =	sor.u32 s3, s0;
	s1 =	sshll.u32 s1, $0x11  }
0xc2: {  	s0 =	sor.u32 s1, s0  }
0xc3: {  	s0 =	sadd.s32 $0x8F2B, s0  }
0xc4: {  	[sflag:s0] =	ssyncadd.remote.s32 $0x1  }
0xc5: {  	_ =	sfence.sel $0xFFFF  }
0xc6: {  	[dreg:$0x0] =	wrdreg $0xFFFFFFFF;
	(pc) =	sbr.abs _section_cstart, $3  }
0xc7: {  	[dreg:$0x1] =	wrdreg $0xFFFFFFFF  }
0xc8: {  	_ =	task.clear_ibuf [dreg:s8], $0x2FFFF;
	_ =	strace $0x9FFFFFFF  }
0xc9: {  	(tm) =	ssettm $0x7FFFFFFF  }
tec
execute0_lowered:
.L_overlay_start_1:
0x0: {  	(tag) =	ssettag $0x1  }
0x1: {  	s1 =	rddreg [dreg:$0x0]  }
0x2: {  	s0 =	rddreg [dreg:$0x1]  }
0x3: {  	s2 =	rddreg [dreg:$0x2]  }
0x4: {  	s4 =	srdreg.scid;
	s3 =	simm.s32 $0x0;
	s5 =	stileid.u32  }
0x5: {  	s8 =	simm.s32 $0x1;
	s19 =	simm.s32 $0x3;
	s20 =	simm.s32 $0x2  }
0x6: {  	s21 =	simm.s32 $0x4;
	s28 =	simm.s32 $0x2080;
	s29 =	simm.s32 $0x2880  }
0x7: {  	s30 =	simm.s32 $0x3080;
	s31 =	simm.s32 $0x3880;
	s10 =	simm.s32 $0x5080  }
0x8: {  	s11 =	simm.s32 $0x5880;
	s12 =	simm.s32 $0x6080;
	s13 =	simm.s32 $0x6880  }
0x9: {  	s14 =	simm.s32 $0x7080;
	s15 =	simm.s32 $0x7880;
	s18 =	simm.s32 $0x8080  }
0xa: {  	s16 =	simm.s32 $0x8880;
	s17 =	simm.s32 $0x9080;
	s4 =	sand.u32 $0x1, s4  }
0xb: {  	[smem:$0x7FF] =	sst s3;
	s5 =	sshll.u32 s5, $0x8;
	s6 =	sshll.u32 s4, $0x7  }
0xc: {  	_ =	strace $0x80000047;
	s4 =	ssub.s32 $0x2, s4;
	s5 =	sor.u32 s6, s5  }
0xd: {  	s22 =	sshrl.u32 s4, $0x1;
	s6 =	sshll.u32 s5, $0x7;
	s5 =	sshrl.u32 s5, $0x3  }
0xe: {  	s7 =	ssub.s32 s4, s22;
	s2 =	sadd.s32 s6, s2;
	s0 =	sadd.s32 s0, s5  }
0xf: {  	s4 =	sadd.s32 $0x100, s1;
	[dreg:$0x4] =	wrdreg s0;
	s23 =	sadd.s32 $0x1A00, s2  }
0x10: {  	s5 =	sadd.s32 $0x200, s1;
	s24 =	sadd.s32 $0x2A00, s2;
	[dreg:$0x5] =	wrdreg s23  }
0x11: {  	s6 =	sadd.s32 $0x300, s1;
	s25 =	sadd.s32 $0x3A00, s2;
	[dreg:$0x6] =	wrdreg s24  }
0x12: {  	v2 =	vlaneseq.u32;
	s7 =	smax.u32 s7, $0x1;
	s26 =	sadd.s32 $0x4A00, s2;
	[dreg:$0x7] =	wrdreg s25  }
0x13: {  	vm0 =	vmmov $0xffff;
	v1 =	vshrl.u32 v2, $0x3;
	s2 =	simm.s32 $0x4880;
	[dreg:$0x8] =	wrdreg s26;
	s25 =	simm.s32 $0x80  }
0x14: {  	v0 =	vand.u32 $0x7, v2;
	v2 =	vor.u32 $0x8, v2;
	v1 =	vmul.u32 $0x8, v1;
	s23 =	simm.s32 $0x880;
	s24 =	simm.s32 $0x1080;
	s26 =	simm.s32 $0x1880  }
.LBB2_1:
0x15: {  	s22 =	rddreg [dreg:$0x4];
	s0 =	simm.s32 $0x5  }
0x16: {  	[tilespmem:s3], [sflag:$0x5] =	stream.linear.gather [hbm4b:s22+s3], $0x80, $0x38;
	[tilespmem:$0x10080] =	vst v63  }
0x17: {  	_ =	swait.ge [sflag:s0], $0x80  }
0x18: {  	[sflag:s0] =	ssyncset.done $0x0  }
0x19: {  	[sflag:s0] =	ssyncadd.s32 $0xFFFFFF80  }
0x1a: {  	v3 =	vld [tilespmem:$0x0];
	_ =	sdelay $0x4  }
0x1b: {  	v4 =	vshll.u32 v3, $0x3  }
0x1c: {  	v3 =	vand.u32 $0x7, v3;
	v4 =	vand.u32 $0xFFFFFFC0, v4  }
0x1d: {  	v3 =	vor.u32 v3, v4  }
0x1e: {  	v4 =	vperm.xlane v3, v0;
	_ =	sdelay $0x1  }
0x1f: {  	v4 =	vadd.s32 v1, v4;
	_ =	sdelay $0x4  }
0x20: {  	[tilespmem:s25], [sflag:$0x1] =	stream.indirect_vreg.gather [hbm4b:s1+s3], $0x80, v4, vm0, $0xb8;
	[tilespmem:$0x10080] =	vst v63  }
0x21: {  	v3 =	vperm.xlane v3, v2  }
0x22: {  	[tilespmem:s23], [sflag:$0x1] =	stream.indirect_vreg.gather [hbm4b:s4+s3], $0x80, v4, vm0, $0xb8;
	[tilespmem:$0x10080] =	vst v63  }
0x23: {  	v3 =	vadd.s32 v1, v3  }
0x24: {  	[tilespmem:s24], [sflag:$0x1] =	stream.indirect_vreg.gather [hbm4b:s5+s3], $0x80, v4, vm0, $0xb8;
	[tilespmem:$0x10080] =	vst v63  }
0x25: {  	_ = 	snop  }
0x26: {  	[tilespmem:s26], [sflag:$0x1] =	stream.indirect_vreg.gather [hbm4b:s6+s3], $0x80, v4, vm0, $0xb8;
	[tilespmem:$0x10080] =	vst v63  }
0x27: {  	_ = 	snop  }
0x28: {  	[tilespmem:s28], [sflag:$0x1] =	stream.indirect_vreg.gather [hbm4b:s1+s3], $0x80, v3, vm0, $0xb8;
	[tilespmem:$0x10080] =	vst v63  }
0x29: {  	_ = 	snop  }
0x2a: {  	[tilespmem:s29], [sflag:$0x1] =	stream.indirect_vreg.gather [hbm4b:s4+s3], $0x80, v3, vm0, $0xb8;
	[tilespmem:$0x10080] =	vst v63  }
0x2b: {  	_ = 	snop  }
0x2c: {  	[tilespmem:s30], [sflag:$0x1] =	stream.indirect_vreg.gather [hbm4b:s5+s3], $0x80, v3, vm0, $0xb8;
	[tilespmem:$0x10080] =	vst v63  }
0x2d: {  	_ = 	snop  }
0x2e: {  	[tilespmem:s31], [sflag:$0x1] =	stream.indirect_vreg.gather [hbm4b:s6+s3], $0x80, v3, vm0, $0xb8;
	[tilespmem:$0x10080] =	vst v63  }
0x2f: {  	v3 =	vld [tilespmem:$0x10];
	_ =	sdelay $0x4  }
0x30: {  	v57 =	vshll.u32 v3, $0x3  }
0x31: {  	v3 =	vand.u32 $0x7, v3;
	v4 =	vand.u32 $0xFFFFFFC0, v57  }
0x32: {  	v3 =	vor.u32 v3, v4  }
0x33: {  	v4 =	vperm.xlane v3, v0;
	_ =	sdelay $0x1  }
0x34: {  	v4 =	vadd.s32 v1, v4;
	_ =	sdelay $0x3  }
0x35: {  	s0 =	simm.s32 $0x4080  }
0x36: {  	[tilespmem:s0], [sflag:$0x1] =	stream.indirect_vreg.gather [hbm4b:s1+s3], $0x80, v4, vm0, $0xb8;
	[tilespmem:$0x10080] =	vst v63  }
0x37: {  	v3 =	vperm.xlane v3, v2  }
0x38: {  	[tilespmem:s2], [sflag:$0x1] =	stream.indirect_vreg.gather [hbm4b:s4+s3], $0x80, v4, vm0, $0xb8;
	[tilespmem:$0x10080] =	vst v63  }
0x39: {  	v3 =	vadd.s32 v1, v3  }
0x3a: {  	[tilespmem:s10], [sflag:$0x1] =	stream.indirect_vreg.gather [hbm4b:s5+s3], $0x80, v4, vm0, $0xb8;
	[tilespmem:$0x10080] =	vst v63  }
0x3b: {  	_ = 	snop  }
0x3c: {  	[tilespmem:s11], [sflag:$0x1] =	stream.indirect_vreg.gather [hbm4b:s6+s3], $0x80, v4, vm0, $0xb8;
	[tilespmem:$0x10080] =	vst v63  }
0x3d: {  	_ = 	snop  }
0x3e: {  	[tilespmem:s12], [sflag:$0x1] =	stream.indirect_vreg.gather [hbm4b:s1+s3], $0x80, v3, vm0, $0xb8;
	[tilespmem:$0x10080] =	vst v63  }
0x3f: {  	_ = 	snop  }
0x40: {  	[tilespmem:s13], [sflag:$0x1] =	stream.indirect_vreg.gather [hbm4b:s4+s3], $0x80, v3, vm0, $0xb8;
	[tilespmem:$0x10080] =	vst v63  }
0x41: {  	_ = 	snop  }
0x42: {  	[tilespmem:s14], [sflag:$0x1] =	stream.indirect_vreg.gather [hbm4b:s5+s3], $0x80, v3, vm0, $0xb8;
	[tilespmem:$0x10080] =	vst v63  }
0x43: {  	_ = 	snop  }
0x44: {  	[tilespmem:s15], [sflag:$0x1] =	stream.indirect_vreg.gather [hbm4b:s6+s3], $0x80, v3, vm0, $0xb8;
	[tilespmem:$0x10080] =	vst v63  }
0x45: {  	v3 =	vld [tilespmem:$0x20];
	_ =	sdelay $0x4  }
0x46: {  	v58 =	vshll.u32 v3, $0x3  }
0x47: {  	v3 =	vand.u32 $0x7, v3;
	v4 =	vand.u32 $0xFFFFFFC0, v58  }
0x48: {  	v3 =	vor.u32 v3, v4  }
0x49: {  	v4 =	vperm.xlane v3, v0;
	_ =	sdelay $0x1  }
0x4a: {  	v4 =	vadd.s32 v1, v4;
	_ =	sdelay $0x4  }
0x4b: {  	[tilespmem:s18], [sflag:$0x2] =	stream.indirect_vreg.gather [hbm4b:s1+s3], $0x80, v4, vm0, $0xb8;
	[tilespmem:$0x10080] =	vst v63  }
0x4c: {  	v3 =	vperm.xlane v3, v2  }
0x4d: {  	[tilespmem:s16], [sflag:$0x2] =	stream.indirect_vreg.gather [hbm4b:s4+s3], $0x80, v4, vm0, $0xb8;
	[tilespmem:$0x10080] =	vst v63  }
0x4e: {  	v3 =	vadd.s32 v1, v3  }
0x4f: {  	[tilespmem:s17], [sflag:$0x2] =	stream.indirect_vreg.gather [hbm4b:s5+s3], $0x80, v4, vm0, $0xb8;
	[tilespmem:$0x10080] =	vst v63  }
0x50: {  	s9 =	simm.s32 $0x9880  }
0x51: {  	[tilespmem:s9], [sflag:$0x2] =	stream.indirect_vreg.gather [hbm4b:s6+s3], $0x80, v4, vm0, $0xb8;
	[tilespmem:$0x10080] =	vst v63  }
0x52: {  	s9 =	simm.s32 $0xA080  }
0x53: {  	[tilespmem:s9], [sflag:$0x2] =	stream.indirect_vreg.gather [hbm4b:s1+s3], $0x80, v3, vm0, $0xb8;
	[tilespmem:$0x10080] =	vst v63  }
0x54: {  	s22 =	simm.s32 $0xA880  }
0x55: {  	[tilespmem:s22], [sflag:$0x2] =	stream.indirect_vreg.gather [hbm4b:s4+s3], $0x80, v3, vm0, $0xb8;
	[tilespmem:$0x10080] =	vst v63  }
0x56: {  	s22 =	simm.s32 $0xB080  }
0x57: {  	[tilespmem:s22], [sflag:$0x2] =	stream.indirect_vreg.gather [hbm4b:s5+s3], $0x80, v3, vm0, $0xb8;
	[tilespmem:$0x10080] =	vst v63  }
0x58: {  	s22 =	simm.s32 $0xB880  }
0x59: {  	[tilespmem:s22], [sflag:$0x2] =	stream.indirect_vreg.gather [hbm4b:s6+s3], $0x80, v3, vm0, $0xb8;
	[tilespmem:$0x10080] =	vst v63  }
0x5a: {  	v3 =	vld [tilespmem:$0x30];
	_ =	sdelay $0x4  }
0x5b: {  	v59 =	vshll.u32 v3, $0x3  }
0x5c: {  	v3 =	vand.u32 $0x7, v3;
	v4 =	vand.u32 $0xFFFFFFC0, v59  }
0x5d: {  	v3 =	vor.u32 v3, v4  }
0x5e: {  	v4 =	vperm.xlane v3, v0;
	_ =	sdelay $0x1  }
0x5f: {  	v4 =	vadd.s32 v1, v4;
	_ =	sdelay $0x3  }
0x60: {  	s22 =	simm.s32 $0xC080  }
0x61: {  	[tilespmem:s22], [sflag:$0x2] =	stream.indirect_vreg.gather [hbm4b:s1+s3], $0x80, v4, vm0, $0xb8;
	[tilespmem:$0x10080] =	vst v63  }
0x62: {  	v3 =	vperm.xlane v3, v2;
	s22 =	simm.s32 $0xC880  }
0x63: {  	[tilespmem:s22], [sflag:$0x2] =	stream.indirect_vreg.gather [hbm4b:s4+s3], $0x80, v4, vm0, $0xb8;
	[tilespmem:$0x10080] =	vst v63  }
0x64: {  	v3 =	vadd.s32 v1, v3;
	s22 =	simm.s32 $0xD080  }
0x65: {  	[tilespmem:s22], [sflag:$0x2] =	stream.indirect_vreg.gather [hbm4b:s5+s3], $0x80, v4, vm0, $0xb8;
	[tilespmem:$0x10080] =	vst v63  }
0x66: {  	s22 =	simm.s32 $0xD880  }
0x67: {  	[tilespmem:s22], [sflag:$0x2] =	stream.indirect_vreg.gather [hbm4b:s6+s3], $0x80, v4, vm0, $0xb8;
	[tilespmem:$0x10080] =	vst v63  }
0x68: {  	s22 =	simm.s32 $0xE080  }
0x69: {  	[tilespmem:s22], [sflag:$0x2] =	stream.indirect_vreg.gather [hbm4b:s1+s3], $0x80, v3, vm0, $0xb8;
	[tilespmem:$0x10080] =	vst v63  }
0x6a: {  	s22 =	simm.s32 $0xE880  }
0x6b: {  	[tilespmem:s22], [sflag:$0x2] =	stream.indirect_vreg.gather [hbm4b:s4+s3], $0x80, v3, vm0, $0xb8;
	[tilespmem:$0x10080] =	vst v63  }
0x6c: {  	s22 =	simm.s32 $0xF080  }
0x6d: {  	[tilespmem:s22], [sflag:$0x2] =	stream.indirect_vreg.gather [hbm4b:s5+s3], $0x80, v3, vm0, $0xb8;
	[tilespmem:$0x10080] =	vst v63  }
0x6e: {  	s22 =	simm.s32 $0xF880  }
0x6f: {  	[tilespmem:s22], [sflag:$0x2] =	stream.indirect_vreg.gather [hbm4b:s6+s3], $0x80, v3, vm0, $0xb8;
	[tilespmem:$0x10080] =	vst v63  }
0x70: {  	_ =	swait.ge [sflag:s8], $0x8000  }
0x71: {  	[sflag:s8] =	ssyncset.done $0x0  }
0x72: {  	s22 =	rddreg [dreg:$0x5];
	[sflag:s8] =	ssyncadd.s32 $0xFFFF8000  }
0x73: {  	[hbm4b:s22+s3] =	stream.linear.scatter [tilespmem:s25], [sflag:$0x3], $0x8000, $0x38;
	[tilespmem:$0x10080] =	vst v63  }
0x74: {  	_ =	swait.ge [sflag:s19], $0x8000  }
0x75: {  	[sflag:s19] =	ssyncset.done $0x0  }
0x76: {  	[sflag:s19] =	ssyncadd.s32 $0xFFFF8000  }
0x77: {  	v3 =	vld [tilespmem:$0x40];
	_ =	sdelay $0x4  }
0x78: {  	v60 =	vshll.u32 v3, $0x3  }
0x79: {  	v3 =	vand.u32 $0x7, v3;
	v4 =	vand.u32 $0xFFFFFFC0, v60  }
0x7a: {  	v3 =	vor.u32 v3, v4  }
0x7b: {  	v4 =	vperm.xlane v3, v0;
	_ =	sdelay $0x1  }
0x7c: {  	v4 =	vadd.s32 v1, v4;
	_ =	sdelay $0x4  }
0x7d: {  	[tilespmem:s25], [sflag:$0x1] =	stream.indirect_vreg.gather [hbm4b:s1+s3], $0x80, v4, vm0, $0xb8;
	[tilespmem:$0x10080] =	vst v63  }
0x7e: {  	v3 =	vperm.xlane v3, v2  }
0x7f: {  	[tilespmem:s23], [sflag:$0x1] =	stream.indirect_vreg.gather [hbm4b:s4+s3], $0x80, v4, vm0, $0xb8;
	[tilespmem:$0x10080] =	vst v63  }
0x80: {  	v3 =	vadd.s32 v1, v3  }
0x81: {  	[tilespmem:s24], [sflag:$0x1] =	stream.indirect_vreg.gather [hbm4b:s5+s3], $0x80, v4, vm0, $0xb8;
	[tilespmem:$0x10080] =	vst v63  }
0x82: {  	_ = 	snop  }
0x83: {  	[tilespmem:s26], [sflag:$0x1] =	stream.indirect_vreg.gather [hbm4b:s6+s3], $0x80, v4, vm0, $0xb8;
	[tilespmem:$0x10080] =	vst v63  }
0x84: {  	_ = 	snop  }
0x85: {  	[tilespmem:s28], [sflag:$0x1] =	stream.indirect_vreg.gather [hbm4b:s1+s3], $0x80, v3, vm0, $0xb8;
	[tilespmem:$0x10080] =	vst v63  }
0x86: {  	_ = 	snop  }
0x87: {  	[tilespmem:s29], [sflag:$0x1] =	stream.indirect_vreg.gather [hbm4b:s4+s3], $0x80, v3, vm0, $0xb8;
	[tilespmem:$0x10080] =	vst v63  }
0x88: {  	_ = 	snop  }
0x89: {  	[tilespmem:s30], [sflag:$0x1] =	stream.indirect_vreg.gather [hbm4b:s5+s3], $0x80, v3, vm0, $0xb8;
	[tilespmem:$0x10080] =	vst v63  }
0x8a: {  	_ = 	snop  }
0x8b: {  	[tilespmem:s31], [sflag:$0x1] =	stream.indirect_vreg.gather [hbm4b:s6+s3], $0x80, v3, vm0, $0xb8;
	[tilespmem:$0x10080] =	vst v63  }
0x8c: {  	v3 =	vld [tilespmem:$0x50];
	_ =	sdelay $0x4  }
0x8d: {  	v61 =	vshll.u32 v3, $0x3  }
0x8e: {  	v3 =	vand.u32 $0x7, v3;
	v4 =	vand.u32 $0xFFFFFFC0, v61  }
0x8f: {  	v3 =	vor.u32 v3, v4  }
0x90: {  	v4 =	vperm.xlane v3, v0;
	_ =	sdelay $0x1  }
0x91: {  	v4 =	vadd.s32 v1, v4;
	_ =	sdelay $0x4  }
0x92: {  	[tilespmem:s0], [sflag:$0x1] =	stream.indirect_vreg.gather [hbm4b:s1+s3], $0x80, v4, vm0, $0xb8;
	[tilespmem:$0x10080] =	vst v63  }
0x93: {  	v3 =	vperm.xlane v3, v2  }
0x94: {  	[tilespmem:s2], [sflag:$0x1] =	stream.indirect_vreg.gather [hbm4b:s4+s3], $0x80, v4, vm0, $0xb8;
	[tilespmem:$0x10080] =	vst v63  }
0x95: {  	v3 =	vadd.s32 v1, v3  }
0x96: {  	[tilespmem:s10], [sflag:$0x1] =	stream.indirect_vreg.gather [hbm4b:s5+s3], $0x80, v4, vm0, $0xb8;
	[tilespmem:$0x10080] =	vst v63  }
0x97: {  	_ = 	snop  }
0x98: {  	[tilespmem:s11], [sflag:$0x1] =	stream.indirect_vreg.gather [hbm4b:s6+s3], $0x80, v4, vm0, $0xb8;
	[tilespmem:$0x10080] =	vst v63  }
0x99: {  	_ = 	snop  }
0x9a: {  	[tilespmem:s12], [sflag:$0x1] =	stream.indirect_vreg.gather [hbm4b:s1+s3], $0x80, v3, vm0, $0xb8;
	[tilespmem:$0x10080] =	vst v63  }
0x9b: {  	_ = 	snop  }
0x9c: {  	[tilespmem:s13], [sflag:$0x1] =	stream.indirect_vreg.gather [hbm4b:s4+s3], $0x80, v3, vm0, $0xb8;
	[tilespmem:$0x10080] =	vst v63  }
0x9d: {  	_ = 	snop  }
0x9e: {  	[tilespmem:s14], [sflag:$0x1] =	stream.indirect_vreg.gather [hbm4b:s5+s3], $0x80, v3, vm0, $0xb8;
	[tilespmem:$0x10080] =	vst v63  }
0x9f: {  	_ = 	snop  }
0xa0: {  	[tilespmem:s15], [sflag:$0x1] =	stream.indirect_vreg.gather [hbm4b:s6+s3], $0x80, v3, vm0, $0xb8;
	[tilespmem:$0x10080] =	vst v63  }
0xa1: {  	_ =	swait.ge [sflag:s20], $0x8000  }
0xa2: {  	[sflag:s20] =	ssyncset.done $0x0  }
0xa3: {  	s0 =	rddreg [dreg:$0x6];
	[sflag:s20] =	ssyncadd.s32 $0xFFFF8000  }
0xa4: {  	[hbm4b:s0+s3] =	stream.linear.scatter [tilespmem:s18], [sflag:$0x4], $0x8000, $0x38;
	[tilespmem:$0x10080] =	vst v63  }
0xa5: {  	_ =	swait.ge [sflag:s21], $0x8000  }
0xa6: {  	[sflag:s21] =	ssyncset.done $0x0  }
0xa7: {  	[sflag:s21] =	ssyncadd.s32 $0xFFFF8000  }
0xa8: {  	v3 =	vld [tilespmem:$0x60];
	_ =	sdelay $0x4  }
0xa9: {  	v62 =	vshll.u32 v3, $0x3  }
0xaa: {  	v3 =	vand.u32 $0x7, v3;
	v4 =	vand.u32 $0xFFFFFFC0, v62  }
0xab: {  	v3 =	vor.u32 v3, v4  }
0xac: {  	v4 =	vperm.xlane v3, v0;
	_ =	sdelay $0x1  }
0xad: {  	v4 =	vadd.s32 v1, v4;
	_ =	sdelay $0x4  }
0xae: {  	[tilespmem:s18], [sflag:$0x2] =	stream.indirect_vreg.gather [hbm4b:s1+s3], $0x80, v4, vm0, $0xb8;
	[tilespmem:$0x10080] =	vst v63  }
0xaf: {  	v3 =	vperm.xlane v3, v2  }
0xb0: {  	[tilespmem:s16], [sflag:$0x2] =	stream.indirect_vreg.gather [hbm4b:s4+s3], $0x80, v4, vm0, $0xb8;
	[tilespmem:$0x10080] =	vst v63  }
0xb1: {  	v3 =	vadd.s32 v1, v3  }
0xb2: {  	[tilespmem:s17], [sflag:$0x2] =	stream.indirect_vreg.gather [hbm4b:s5+s3], $0x80, v4, vm0, $0xb8;
	[tilespmem:$0x10080] =	vst v63  }
0xb3: {  	s22 =	simm.s32 $0x9880  }
0xb4: {  	[tilespmem:s22], [sflag:$0x2] =	stream.indirect_vreg.gather [hbm4b:s6+s3], $0x80, v4, vm0, $0xb8;
	[tilespmem:$0x10080] =	vst v63  }
0xb5: {  	_ = 	snop  }
0xb6: {  	[tilespmem:s9], [sflag:$0x2] =	stream.indirect_vreg.gather [hbm4b:s1+s3], $0x80, v3, vm0, $0xb8;
	[tilespmem:$0x10080] =	vst v63  }
0xb7: {  	s22 =	simm.s32 $0xA880  }
0xb8: {  	[tilespmem:s22], [sflag:$0x2] =	stream.indirect_vreg.gather [hbm4b:s4+s3], $0x80, v3, vm0, $0xb8;
	[tilespmem:$0x10080] =	vst v63  }
0xb9: {  	s9 =	simm.s32 $0xB080  }
0xba: {  	[tilespmem:s9], [sflag:$0x2] =	stream.indirect_vreg.gather [hbm4b:s5+s3], $0x80, v3, vm0, $0xb8;
	[tilespmem:$0x10080] =	vst v63  }
0xbb: {  	s22 =	simm.s32 $0xB880  }
0xbc: {  	[tilespmem:s22], [sflag:$0x2] =	stream.indirect_vreg.gather [hbm4b:s6+s3], $0x80, v3, vm0, $0xb8;
	[tilespmem:$0x10080] =	vst v63  }
0xbd: {  	v3 =	vld [tilespmem:$0x70];
	_ =	sdelay $0x4  }
0xbe: {  	v63 =	vshll.u32 v3, $0x3  }
0xbf: {  	v3 =	vand.u32 $0x7, v3;
	v4 =	vand.u32 $0xFFFFFFC0, v63  }
0xc0: {  	v3 =	vor.u32 v3, v4  }
0xc1: {  	v4 =	vperm.xlane v3, v0;
	_ =	sdelay $0x1  }
0xc2: {  	v4 =	vadd.s32 v1, v4;
	_ =	sdelay $0x3  }
0xc3: {  	s9 =	simm.s32 $0xC080  }
0xc4: {  	[tilespmem:s9], [sflag:$0x2] =	stream.indirect_vreg.gather [hbm4b:s1+s3], $0x80, v4, vm0, $0xb8;
	[tilespmem:$0x10080] =	vst v63  }
0xc5: {  	s22 =	simm.s32 $0xC880;
	v3 =	vperm.xlane v3, v2  }
0xc6: {  	[tilespmem:s22], [sflag:$0x2] =	stream.indirect_vreg.gather [hbm4b:s4+s3], $0x80, v4, vm0, $0xb8;
	[tilespmem:$0x10080] =	vst v63  }
0xc7: {  	v3 =	vadd.s32 v1, v3;
	s9 =	simm.s32 $0xD080  }
0xc8: {  	[tilespmem:s9], [sflag:$0x2] =	stream.indirect_vreg.gather [hbm4b:s5+s3], $0x80, v4, vm0, $0xb8;
	[tilespmem:$0x10080] =	vst v63  }
0xc9: {  	s22 =	simm.s32 $0xD880  }
0xca: {  	[tilespmem:s22], [sflag:$0x2] =	stream.indirect_vreg.gather [hbm4b:s6+s3], $0x80, v4, vm0, $0xb8;
	[tilespmem:$0x10080] =	vst v63  }
0xcb: {  	s9 =	simm.s32 $0xE080  }
0xcc: {  	[tilespmem:s9], [sflag:$0x2] =	stream.indirect_vreg.gather [hbm4b:s1+s3], $0x80, v3, vm0, $0xb8;
	[tilespmem:$0x10080] =	vst v63  }
0xcd: {  	s22 =	simm.s32 $0xE880  }
0xce: {  	[tilespmem:s22], [sflag:$0x2] =	stream.indirect_vreg.gather [hbm4b:s4+s3], $0x80, v3, vm0, $0xb8;
	[tilespmem:$0x10080] =	vst v63  }
0xcf: {  	s9 =	simm.s32 $0xF080  }
0xd0: {  	[tilespmem:s9], [sflag:$0x2] =	stream.indirect_vreg.gather [hbm4b:s5+s3], $0x80, v3, vm0, $0xb8;
	[tilespmem:$0x10080] =	vst v63  }
0xd1: {  	s22 =	simm.s32 $0xF880  }
0xd2: {  	[tilespmem:s22], [sflag:$0x2] =	stream.indirect_vreg.gather [hbm4b:s6+s3], $0x80, v3, vm0, $0xb8;
	[tilespmem:$0x10080] =	vst v63  }
0xd3: {  	_ =	swait.ge [sflag:s8], $0x8000  }
0xd4: {  	[sflag:s8] =	ssyncset.done $0x0  }
0xd5: {  	s0 =	rddreg [dreg:$0x7];
	[sflag:s8] =	ssyncadd.s32 $0xFFFF8000  }
0xd6: {  	[hbm4b:s0+s3] =	stream.linear.scatter [tilespmem:s25], [sflag:$0x3], $0x8000, $0x38;
	[tilespmem:$0x10080] =	vst v63  }
0xd7: {  	_ =	swait.ge [sflag:s20], $0x8000  }
0xd8: {  	[sflag:s20] =	ssyncset.done $0x0  }
0xd9: {  	s9 =	rddreg [dreg:$0x8];
	[sflag:s20] =	ssyncadd.s32 $0xFFFF8000  }
0xda: {  	[hbm4b:s9+s3] =	stream.linear.scatter [tilespmem:s18], [sflag:$0x4], $0x8000, $0x38;
	[tilespmem:$0x10080] =	vst v63  }
0xdb: {  	p0 =	sne.s32 s7, $0x1;
	_ =	swait.ge [sflag:s19], $0x8000  }
.Ltmp0:
0xdc: {  	[sflag:s19] =	ssyncset.done $0x0;
	(pc) =	sbr.rel @p0 .LBB2_1-.Ltmp0, $4  }
0xdd: {  	[sflag:s19] =	ssyncadd.s32 $0xFFFF8000  }
0xde: {  	_ =	swait.ge [sflag:s21], $0x8000  }
0xdf: {  	[sflag:s21] =	ssyncset.done $0x0  }
0xe0: {  	s7 =	sadd.s32 $0xFFFFFFFF, s7;
	[sflag:s21] =	ssyncadd.s32 $0xFFFF8000  }
0xe1: {  	_ =	sfence.sel $0x180000  }
0xe2: {  	[bflag:$0x0] =	sbarrier.arrive $0xFFFF  }
0xe3: {  	_ =	strace $0x90000047  }
0xe4: {  	s0 =	stileid.u32;
	[bflag:$0x2] =	sbarrier.arrive $0xFFFF  }
0xe5: {  	p0 =	sne.s32 s0, $0x0;
	s0 =	rddreg [dreg:$0x3]  }
0xe6: {  	s0 =	sadd.s32 @!p0 $0x100000, s0  }
0xe7: {  	[sflag:s0] =	ssyncadd.tile.s32 @!p0 $0x1;
	_ =	shalt  }
.Lfunc_end2:
_tile_overlayer_lowered:
.L_overlay_start_2:
0xe8: {  	(tag) =	ssettag $0x2  }
0xe9: {  	s0 =	rddreg [dreg:$0x0];
	s2 =	stileid.u32  }
0xea: {  	s1 =	rddreg [dreg:$0x1];
	p0 =	sne.s32 s2, $0x0  }
0xeb: {  	s3 =	rddreg [dreg:$0x2];
	[bflag:$0x3] =	sbarrier.arrive $0xFFFF;
	s2 =	simm.s32 @!p0 $0x1C05  }
0xec: {  	[timem:s3], [sflag:s2] =	dma.local @!p0 [hbm:s0], s1  }
0xed: {  	s0 =	simm.s32 @!p0 $0x5  }
0xee: {  	_ =	swait.ge @!p0 [sflag:s0], s1  }
0xef: {  	s1 =	ssub.s32 @!p0 $0x0, s1;
	[sflag:s0] =	ssyncset.done @!p0 $0x0  }
0xf0: {  	[sflag:s0] =	ssyncadd.s32 @!p0 s1  }
0xf1: {  	[bflag:$0x3] =	sbarrier.arrive $0xFFFF  }
0xf2: {  	_ =	shalt  }

</sc_bundles>
